<compile_context>
chip_gen: v7x
topology: tpu7x:2x2x1
jax: 0.10.2.dev20260603
libtpu: 0.0.44.dev20260713+nightly
codegen_flags: <defaults>
</compile_context>

<pallas_src>
import jax
import jax.numpy as jnp
from jax import lax
from jax.experimental import pallas as pl
from jax.experimental.pallas import tpu as pltpu
from jax.experimental.pallas import tpu_sc as plsc

F = 26
VOCAB = 100001
D = 32
B = 16384

_info = plsc.get_sparse_core_info()
NC = _info.num_cores
NS = _info.num_subcores
NW = NC * NS
H0 = 50048
H1 = VOCAB - H0
IDXC = 4096
UNROLL = 8


def _body(tab, xt, out, pln_a, pln_b, idx_a, idx_b, acc_v,
          sem_a, sem_b, sem_i0, sem_i1):
    d = lax.axis_index("s") * NC + lax.axis_index("c")

    zv = jnp.zeros((16,), jnp.float32)

    @plsc.parallel_loop(0, B, step=16, unroll=UNROLL)
    def _zero(i):
        acc_v[pl.ds(i, 16)] = zv

    def start_half(f, half):
        if half == 0:
            pltpu.async_copy(tab.at[f, d, pl.ds(0, H0)], pln_a, sem_a)
        else:
            pltpu.async_copy(tab.at[f, d, pl.ds(H0, H1)], pln_b, sem_b)

    def wait_half(half):
        if half == 0:
            pltpu.make_async_copy(tab.at[0, 0, pl.ds(0, H0)], pln_a, sem_a).wait()
        else:
            pltpu.make_async_copy(tab.at[0, 0, pl.ds(H0, H1)], pln_b, sem_b).wait()

    idx_bufs = (idx_a, idx_b)
    idx_sems = (sem_i0, sem_i1)
    IDXR = IDXC // 2048

    def start_idx(f, c):
        pltpu.async_copy(xt.at[pl.ds(f * 8 + c * IDXR, IDXR)],
                         idx_bufs[c % 2], idx_sems[c % 2])

    def wait_idx(c):
        pltpu.make_async_copy(xt.at[pl.ds(0, IDXR)],
                              idx_bufs[c % 2], idx_sems[c % 2]).wait()

    def gather_chunk(f, half, c):
        buf = pln_a if half == 0 else pln_b
        cur = idx_bufs[c % 2]
        for r in range(IDXR):
            base = c * IDXC + r * 2048

            @plsc.parallel_loop(0, 2048, step=16, unroll=UNROLL)
            def _gather(i, _buf=buf, _cur=cur, _base=base, _r=r, _half=half):
                v = _cur[_r, pl.ds(i, 16)]
                if _half == 0:
                    m = v < H0
                    vals = plsc.load_gather(_buf, [v], mask=m)
                else:
                    m = v >= H0
                    vals = plsc.load_gather(_buf, [v - H0], mask=m)
                vals = jnp.where(m, vals, 0.0)
                plsc.addupdate(acc_v.at[pl.ds(_base + i, 16)], vals)

    NCH = B // IDXC

    start_half(0, 0)
    start_half(0, 1)
    start_idx(0, 0)

    def fstep(f, carry):
        wait_half(0)
        for c in range(NCH):
            if c + 1 < NCH:
                start_idx(f, c + 1)
            wait_idx(c)
            gather_chunk(f, 0, c)

        @pl.when(f + 1 < F)
        def _():
            start_half(f + 1, 0)

        wait_half(1)
        gather_chunk(f, 1, NCH - 2)
        start_idx(f, 0)
        gather_chunk(f, 1, NCH - 1)
        start_idx(f, 1)
        for c in range(NCH - 2):
            wait_idx(c)
            gather_chunk(f, 1, c)
            if c + 2 < NCH - 2:
                start_idx(f, c + 2)

        @pl.when(f + 1 < F)
        def _():
            start_half(f + 1, 1)

        @pl.when(f + 1 < F)
        def _():
            start_idx(f + 1, 0)

        return carry

    lax.fori_loop(0, F, fstep, 0)
    pltpu.sync_copy(acc_v, out.at[d])


@jax.jit
def _run(tab_t, x_t):
    mesh = plsc.VectorSubcoreMesh(core_axis_name="c", subcore_axis_name="s")
    kfn = pl.kernel(
        _body,
        mesh=mesh,
        out_type=jax.ShapeDtypeStruct((D, B), jnp.float32),
        scratch_types=[
            pltpu.VMEM((H0,), jnp.float32),
            pltpu.VMEM((H1,), jnp.float32),
            pltpu.VMEM((IDXC // 2048, 2048), jnp.int32),
            pltpu.VMEM((IDXC // 2048, 2048), jnp.int32),
            pltpu.VMEM((B,), jnp.float32),
            pltpu.SemaphoreType.DMA,
            pltpu.SemaphoreType.DMA,
            pltpu.SemaphoreType.DMA,
            pltpu.SemaphoreType.DMA,
        ],
        compiler_params=pltpu.CompilerParams(needs_layout_passes=False),
    )
    return kfn(tab_t, x_t)


def kernel(X, tables):
    x_t = X.astype(jnp.int32).T.reshape(F * 8, 2048)
    tab_t = jnp.transpose(tables, (0, 2, 1))
    return _run(tab_t, x_t).T

# --- scband reference (transcript-rebuilt; emitter-appended) ---
"""Pipeline reference for scband-usaanr-embedding-mlp-49821620633805 (READ-ONLY COPY).

The authoritative reference and input builder live on the scoring server;
editing this copy changes nothing except your own understanding.
"""

import jax, jax.numpy as jnp
import numpy as np

NUM_FIELDS = 26
VOCAB = 100000  # each nn.Embedding has VOCAB+1 rows (len(unique)+1)
EMBED_DIM = 32
BATCH = 16384


def setup_inputs(seed: int = 0) -> dict:
    key = jax.random.key(seed)
    k_idx, k_tab = jax.random.split(key)
    X = jax.random.randint(k_idx, (BATCH, NUM_FIELDS), 0, VOCAB, dtype=jnp.int32).astype(jnp.int64)
    # One embedding table per field, stacked: [NUM_FIELDS, VOCAB+1, EMBED_DIM]
    tables = jax.random.normal(k_tab, (NUM_FIELDS, VOCAB + 1, EMBED_DIM), dtype=jnp.float32)
    return {"X": X, "tables": tables}


def reference(X, tables):
    # For each field i: gather tables[i][X[:, i]] -> [B, D]; stack over fields and sum.
    # Equivalent to: th.stack([emb[col](X[:, i]) for i, col in ...], 0).sum(0)
    gathered = jax.vmap(lambda t, idx: jnp.take(t, idx, axis=0), in_axes=(0, 1))(tables, X)  # [F, B, D]
    return gathered.sum(axis=0)  # [B, D]

if __name__ == "__main__":
    import jax
    _d = setup_inputs()
    print(jax.jit(kernel)(*tuple(_d.values())))

</pallas_src>

<mosaic_0001>
#map = affine_map<(d0, d1) -> (0, 0, 0)>
#map1 = affine_map<(d0, d1) -> (0, 0)>
module attributes {stable_mosaic.version = 14 : i64} {
  func.func @_body(%arg0: i32, %arg1: i32, %arg2: memref<26x32x100001xf32, #tpu.memory_space<hbm>>, %arg3: memref<208x2048xi32, #tpu.memory_space<hbm>>, %arg4: memref<32x16384xf32, #tpu.memory_space<hbm>>, %arg5: memref<50048xf32, #tpu.memory_space<vmem>>, %arg6: memref<49953xf32, #tpu.memory_space<vmem>>, %arg7: memref<2x2048xi32, #tpu.memory_space<vmem>>, %arg8: memref<2x2048xi32, #tpu.memory_space<vmem>>, %arg9: memref<16384xf32, #tpu.memory_space<vmem>>, %arg10: memref<!tpu.dma_semaphore, #tpu.memory_space<semaphore_mem>>, %arg11: memref<!tpu.dma_semaphore, #tpu.memory_space<semaphore_mem>>, %arg12: memref<!tpu.dma_semaphore, #tpu.memory_space<semaphore_mem>>, %arg13: memref<!tpu.dma_semaphore, #tpu.memory_space<semaphore_mem>>) attributes {dimension_semantics = [#tpu.dimension_semantics<core_parallel>, #tpu.dimension_semantics<subcore_parallel>], iteration_bounds = array<i64: 2, 16>, scalar_prefetch = 0 : i64, scratch_operands = 9 : i64, tpu.core_type = #tpu.core_type<sc_vector_subcore>, window_params = [{transform_indices = #map}, {transform_indices = #map1}, {transform_indices = #map1}]} {
    %mul3A = arith.constant 2 : i32
    %mul3A_0 = arith.muli %arg1, %mul3A : i32
    %add3A = arith.addi %mul3A_0, %arg0 : i32
    %broadcast_in_dim3A = arith.constant 0.000000e+00 : f32
    %broadcast_in_dim3A_1 = vector.broadcast %broadcast_in_dim3A : f32 to vector<16xf32>
    %parallel_loop3A = arith.constant 0 : i32
    %parallel_loop3A_2 = arith.constant 16384 : i32
    %parallel_loop3A_3 = arith.constant 16 : i32
    scf.for %parallel_loop3A_28 = %parallel_loop3A to %parallel_loop3A_2 step %parallel_loop3A_3  : i32 {
      %parallel_loop3A_29 = arith.index_cast %parallel_loop3A_28 : i32 to index
      %parallel_loop3A_30 = tpu.vector_load %arg9[%parallel_loop3A_29] {strides = array<i32>} : memref<16384xf32, #tpu.memory_space<vmem>>, vector<16xf32>,
      tpu.vector_store %arg9[%parallel_loop3A_29], %broadcast_in_dim3A_1 {strides = array<i32>} : memref<16384xf32, #tpu.memory_space<vmem>>, vector<16xf32>,
    } {sc.loop_unroll_factor = 8 : i64, sc.parallel_access}
    %dma_start3A = arith.constant 0 : i32
    %dma_start3A_4 = arith.constant 0 : i32
    %dma_start3A_5 = tpu.memref_slice %arg2[%dma_start3A, %add3A, %dma_start3A_4] : memref<26x32x100001xf32, #tpu.memory_space<hbm>> -> memref<1x1x50048xf32, #tpu.memory_space<hbm>>
    %dma_start3A_6 = tpu.memref_squeeze %dma_start3A_5 : memref<1x1x50048xf32, #tpu.memory_space<hbm>> -> memref<50048xf32, #tpu.memory_space<hbm>>
    %dma_start3A_7 = arith.constant 0 : i32
    %dma_start3A_8 = tpu.memref_slice %arg2[%dma_start3A, %add3A, %dma_start3A_7] : memref<26x32x100001xf32, #tpu.memory_space<hbm>> -> memref<1x1x50048xf32, #tpu.memory_space<hbm>>
    %dma_start3A_9 = tpu.memref_squeeze %dma_start3A_8 : memref<1x1x50048xf32, #tpu.memory_space<hbm>> -> memref<50048xf32, #tpu.memory_space<hbm>>
    tpu.enqueue_dma source(%dma_start3A_9 : memref<50048xf32, #tpu.memory_space<hbm>>) target(%arg5 : memref<50048xf32, #tpu.memory_space<vmem>>) target_semaphore(%arg10 : memref<!tpu.dma_semaphore, #tpu.memory_space<semaphore_mem>>)
    %dma_start3A_10 = arith.constant 0 : i32
    %dma_start3A_11 = arith.constant 50048 : i32
    %dma_start3A_12 = tpu.memref_slice %arg2[%dma_start3A_10, %add3A, %dma_start3A_11] : memref<26x32x100001xf32, #tpu.memory_space<hbm>> -> memref<1x1x49953xf32, #tpu.memory_space<hbm>>
    %dma_start3A_13 = tpu.memref_squeeze %dma_start3A_12 : memref<1x1x49953xf32, #tpu.memory_space<hbm>> -> memref<49953xf32, #tpu.memory_space<hbm>>
    %dma_start3A_14 = arith.constant 50048 : i32
    %dma_start3A_15 = tpu.memref_slice %arg2[%dma_start3A_10, %add3A, %dma_start3A_14] : memref<26x32x100001xf32, #tpu.memory_space<hbm>> -> memref<1x1x49953xf32, #tpu.memory_space<hbm>>
    %dma_start3A_16 = tpu.memref_squeeze %dma_start3A_15 : memref<1x1x49953xf32, #tpu.memory_space<hbm>> -> memref<49953xf32, #tpu.memory_space<hbm>>
    tpu.enqueue_dma source(%dma_start3A_16 : memref<49953xf32, #tpu.memory_space<hbm>>) target(%arg6 : memref<49953xf32, #tpu.memory_space<vmem>>) target_semaphore(%arg11 : memref<!tpu.dma_semaphore, #tpu.memory_space<semaphore_mem>>)
    %dma_start3A_17 = arith.constant 0 : i32
    %dma_start3A_18 = arith.constant 0 : i32
    %dma_start3A_19 = tpu.memref_slice %arg3[%dma_start3A_17, %dma_start3A_18] : memref<208x2048xi32, #tpu.memory_space<hbm>> -> memref<2x2048xi32, #tpu.memory_space<hbm>>
    %dma_start3A_20 = arith.constant 0 : i32
    %dma_start3A_21 = arith.constant 0 : i32
    %dma_start3A_22 = tpu.memref_slice %arg3[%dma_start3A_20, %dma_start3A_21] : memref<208x2048xi32, #tpu.memory_space<hbm>> -> memref<2x2048xi32, #tpu.memory_space<hbm>>
    tpu.enqueue_dma source(%dma_start3A_22 : memref<2x2048xi32, #tpu.memory_space<hbm>>) target(%arg7 : memref<2x2048xi32, #tpu.memory_space<vmem>>) target_semaphore(%arg12 : memref<!tpu.dma_semaphore, #tpu.memory_space<semaphore_mem>>)
    %scan3A = arith.constant 0 : i32
    %scan3A_23 = arith.constant 0 : i32
    %scan3A_24 = arith.constant 26 : i32
    %scan3A_25 = arith.addi %scan3A_23, %scan3A_24 : i32
    %scan3A_26 = arith.constant 1 : i32
    scf.for %scan3A_28 = %scan3A_23 to %scan3A_25 step %scan3A_26  : i32 {
      %dma_wait3A = arith.constant 0 : i32
      %dma_wait3A_29 = arith.constant 0 : i32
      %dma_wait3A_30 = arith.constant 0 : i32
      %dma_wait3A_31 = tpu.memref_slice %arg2[%dma_wait3A, %dma_wait3A_29, %dma_wait3A_30] : memref<26x32x100001xf32, #tpu.memory_space<hbm>> -> memref<1x1x50048xf32, #tpu.memory_space<hbm>>
      %dma_wait3A_32 = tpu.memref_squeeze %dma_wait3A_31 : memref<1x1x50048xf32, #tpu.memory_space<hbm>> -> memref<50048xf32, #tpu.memory_space<hbm>>
      %dma_wait3A_33 = arith.constant 0 : i32
      %dma_wait3A_34 = tpu.memref_slice %arg2[%dma_wait3A, %dma_wait3A_29, %dma_wait3A_33] : memref<26x32x100001xf32, #tpu.memory_space<hbm>> -> memref<1x1x50048xf32, #tpu.memory_space<hbm>>
      %dma_wait3A_35 = tpu.memref_squeeze %dma_wait3A_34 : memref<1x1x50048xf32, #tpu.memory_space<hbm>> -> memref<50048xf32, #tpu.memory_space<hbm>>
      tpu.wait_dma2 semaphore(%arg10 : memref<!tpu.dma_semaphore, #tpu.memory_space<semaphore_mem>>) src(%dma_wait3A_35 : memref<50048xf32, #tpu.memory_space<hbm>>) dst(%arg5 : memref<50048xf32, #tpu.memory_space<vmem>>)
      %mul3A_36 = arith.constant 8 : i32
      %mul3A_37 = arith.muli %scan3A_28, %mul3A_36 : i32
      %add3A_38 = arith.constant 2 : i32
      %add3A_39 = arith.addi %mul3A_37, %add3A_38 : i32
      %dma_start3A_40 = arith.constant 0 : i32
      %dma_start3A_41 = tpu.memref_slice %arg3[%add3A_39, %dma_start3A_40] : memref<208x2048xi32, #tpu.memory_space<hbm>> -> memref<2x2048xi32, #tpu.memory_space<hbm>>
      %dma_start3A_42 = arith.constant 0 : i32
      %dma_start3A_43 = tpu.memref_slice %arg3[%add3A_39, %dma_start3A_42] : memref<208x2048xi32, #tpu.memory_space<hbm>> -> memref<2x2048xi32, #tpu.memory_space<hbm>>
      tpu.enqueue_dma source(%dma_start3A_43 : memref<2x2048xi32, #tpu.memory_space<hbm>>) target(%arg8 : memref<2x2048xi32, #tpu.memory_space<vmem>>) target_semaphore(%arg13 : memref<!tpu.dma_semaphore, #tpu.memory_space<semaphore_mem>>)
      %dma_wait3A_44 = arith.constant 0 : i32
      %dma_wait3A_45 = arith.constant 0 : i32
      %dma_wait3A_46 = tpu.memref_slice %arg3[%dma_wait3A_44, %dma_wait3A_45] : memref<208x2048xi32, #tpu.memory_space<hbm>> -> memref<2x2048xi32, #tpu.memory_space<hbm>>
      %dma_wait3A_47 = arith.constant 0 : i32
      %dma_wait3A_48 = arith.constant 0 : i32
      %dma_wait3A_49 = tpu.memref_slice %arg3[%dma_wait3A_47, %dma_wait3A_48] : memref<208x2048xi32, #tpu.memory_space<hbm>> -> memref<2x2048xi32, #tpu.memory_space<hbm>>
      tpu.wait_dma2 semaphore(%arg12 : memref<!tpu.dma_semaphore, #tpu.memory_space<semaphore_mem>>) src(%dma_wait3A_49 : memref<2x2048xi32, #tpu.memory_space<hbm>>) dst(%arg7 : memref<2x2048xi32, #tpu.memory_space<vmem>>)
      %parallel_loop3A_50 = arith.constant 0 : i32
      %parallel_loop3A_51 = arith.constant 2048 : i32
      %parallel_loop3A_52 = arith.constant 16 : i32
      scf.for %parallel_loop3A_186 = %parallel_loop3A_50 to %parallel_loop3A_51 step %parallel_loop3A_52  : i32 {
        %parallel_loop3A_187 = arith.constant 0 : i32
        %parallel_loop3A_188 = arith.index_cast %parallel_loop3A_187 : i32 to index
        %parallel_loop3A_189 = arith.index_cast %parallel_loop3A_186 : i32 to index
        %parallel_loop3A_190 = tpu.vector_load %arg7[%parallel_loop3A_188, %parallel_loop3A_189] {strides = array<i32>} : memref<2x2048xi32, #tpu.memory_space<vmem>>, vector<16xi32>,
        %parallel_loop3A_191 = arith.constant 50048 : i32
        %parallel_loop3A_192 = vector.broadcast %parallel_loop3A_191 : i32 to vector<16xi32>
        %parallel_loop3A_193 = arith.cmpi slt, %parallel_loop3A_190, %parallel_loop3A_192 : vector<16xi32>
        %parallel_loop3A_194 = tpu.vector_load_idx %arg5[%parallel_loop3A_190] masked %parallel_loop3A_193 : memref<50048xf32, #tpu.memory_space<vmem>>[vector<16xi32>], vector<16xf32>, vector<16xi1>
        %parallel_loop3A_195 = arith.constant 0.000000e+00 : f32
        %parallel_loop3A_196 = vector.broadcast %parallel_loop3A_195 : f32 to vector<16xf32>
        %parallel_loop3A_197 = arith.select %parallel_loop3A_193, %parallel_loop3A_194, %parallel_loop3A_196 : vector<16xi1>, vector<16xf32>
        %parallel_loop3A_198 = arith.constant 0 : i32
        %parallel_loop3A_199 = arith.addi %parallel_loop3A_198, %parallel_loop3A_186 : i32
        %parallel_loop3A_200 = arith.index_cast %parallel_loop3A_199 : i32 to index
        %parallel_loop3A_201 = tpu.vector_load %arg9[%parallel_loop3A_200] {strides = array<i32>} : memref<16384xf32, #tpu.memory_space<vmem>>, vector<16xf32>,
        tpu.vector_store %arg9[%parallel_loop3A_200], %parallel_loop3A_197 {add = true, strides = array<i32>} : memref<16384xf32, #tpu.memory_space<vmem>>, vector<16xf32>,
      } {sc.loop_unroll_factor = 8 : i64, sc.parallel_access}
      %parallel_loop3A_53 = arith.constant 0 : i32
      %parallel_loop3A_54 = arith.constant 2048 : i32
      %parallel_loop3A_55 = arith.constant 16 : i32
      scf.for %parallel_loop3A_186 = %parallel_loop3A_53 to %parallel_loop3A_54 step %parallel_loop3A_55  : i32 {
        %parallel_loop3A_187 = arith.constant 1 : i32
        %parallel_loop3A_188 = arith.index_cast %parallel_loop3A_187 : i32 to index
        %parallel_loop3A_189 = arith.index_cast %parallel_loop3A_186 : i32 to index
        %parallel_loop3A_190 = tpu.vector_load %arg7[%parallel_loop3A_188, %parallel_loop3A_189] {strides = array<i32>} : memref<2x2048xi32, #tpu.memory_space<vmem>>, vector<16xi32>,
        %parallel_loop3A_191 = arith.constant 50048 : i32
        %parallel_loop3A_192 = vector.broadcast %parallel_loop3A_191 : i32 to vector<16xi32>
        %parallel_loop3A_193 = arith.cmpi slt, %parallel_loop3A_190, %parallel_loop3A_192 : vector<16xi32>
        %parallel_loop3A_194 = tpu.vector_load_idx %arg5[%parallel_loop3A_190] masked %parallel_loop3A_193 : memref<50048xf32, #tpu.memory_space<vmem>>[vector<16xi32>], vector<16xf32>, vector<16xi1>
        %parallel_loop3A_195 = arith.constant 0.000000e+00 : f32
        %parallel_loop3A_196 = vector.broadcast %parallel_loop3A_195 : f32 to vector<16xf32>
        %parallel_loop3A_197 = arith.select %parallel_loop3A_193, %parallel_loop3A_194, %parallel_loop3A_196 : vector<16xi1>, vector<16xf32>
        %parallel_loop3A_198 = arith.constant 2048 : i32
        %parallel_loop3A_199 = arith.addi %parallel_loop3A_198, %parallel_loop3A_186 : i32
        %parallel_loop3A_200 = arith.index_cast %parallel_loop3A_199 : i32 to index
        %parallel_loop3A_201 = tpu.vector_load %arg9[%parallel_loop3A_200] {strides = array<i32>} : memref<16384xf32, #tpu.memory_space<vmem>>, vector<16xf32>,
        tpu.vector_store %arg9[%parallel_loop3A_200], %parallel_loop3A_197 {add = true, strides = array<i32>} : memref<16384xf32, #tpu.memory_space<vmem>>, vector<16xf32>,
      } {sc.loop_unroll_factor = 8 : i64, sc.parallel_access}
      %mul3A_56 = arith.constant 8 : i32
      %mul3A_57 = arith.muli %scan3A_28, %mul3A_56 : i32
      %add3A_58 = arith.constant 4 : i32
      %add3A_59 = arith.addi %mul3A_57, %add3A_58 : i32
      %dma_start3A_60 = arith.constant 0 : i32
      %dma_start3A_61 = tpu.memref_slice %arg3[%add3A_59, %dma_start3A_60] : memref<208x2048xi32, #tpu.memory_space<hbm>> -> memref<2x2048xi32, #tpu.memory_space<hbm>>
      %dma_start3A_62 = arith.constant 0 : i32
      %dma_start3A_63 = tpu.memref_slice %arg3[%add3A_59, %dma_start3A_62] : memref<208x2048xi32, #tpu.memory_space<hbm>> -> memref<2x2048xi32, #tpu.memory_space<hbm>>
      tpu.enqueue_dma source(%dma_start3A_63 : memref<2x2048xi32, #tpu.memory_space<hbm>>) target(%arg7 : memref<2x2048xi32, #tpu.memory_space<vmem>>) target_semaphore(%arg12 : memref<!tpu.dma_semaphore, #tpu.memory_space<semaphore_mem>>)
      %dma_wait3A_64 = arith.constant 0 : i32
      %dma_wait3A_65 = arith.constant 0 : i32
      %dma_wait3A_66 = tpu.memref_slice %arg3[%dma_wait3A_64, %dma_wait3A_65] : memref<208x2048xi32, #tpu.memory_space<hbm>> -> memref<2x2048xi32, #tpu.memory_space<hbm>>
      %dma_wait3A_67 = arith.constant 0 : i32
      %dma_wait3A_68 = arith.constant 0 : i32
      %dma_wait3A_69 = tpu.memref_slice %arg3[%dma_wait3A_67, %dma_wait3A_68] : memref<208x2048xi32, #tpu.memory_space<hbm>> -> memref<2x2048xi32, #tpu.memory_space<hbm>>
      tpu.wait_dma2 semaphore(%arg13 : memref<!tpu.dma_semaphore, #tpu.memory_space<semaphore_mem>>) src(%dma_wait3A_69 : memref<2x2048xi32, #tpu.memory_space<hbm>>) dst(%arg8 : memref<2x2048xi32, #tpu.memory_space<vmem>>)
      %parallel_loop3A_70 = arith.constant 0 : i32
      %parallel_loop3A_71 = arith.constant 2048 : i32
      %parallel_loop3A_72 = arith.constant 16 : i32
      scf.for %parallel_loop3A_186 = %parallel_loop3A_70 to %parallel_loop3A_71 step %parallel_loop3A_72  : i32 {
        %parallel_loop3A_187 = arith.constant 0 : i32
        %parallel_loop3A_188 = arith.index_cast %parallel_loop3A_187 : i32 to index
        %parallel_loop3A_189 = arith.index_cast %parallel_loop3A_186 : i32 to index
        %parallel_loop3A_190 = tpu.vector_load %arg8[%parallel_loop3A_188, %parallel_loop3A_189] {strides = array<i32>} : memref<2x2048xi32, #tpu.memory_space<vmem>>, vector<16xi32>,
        %parallel_loop3A_191 = arith.constant 50048 : i32
        %parallel_loop3A_192 = vector.broadcast %parallel_loop3A_191 : i32 to vector<16xi32>
        %parallel_loop3A_193 = arith.cmpi slt, %parallel_loop3A_190, %parallel_loop3A_192 : vector<16xi32>
        %parallel_loop3A_194 = tpu.vector_load_idx %arg5[%parallel_loop3A_190] masked %parallel_loop3A_193 : memref<50048xf32, #tpu.memory_space<vmem>>[vector<16xi32>], vector<16xf32>, vector<16xi1>
        %parallel_loop3A_195 = arith.constant 0.000000e+00 : f32
        %parallel_loop3A_196 = vector.broadcast %parallel_loop3A_195 : f32 to vector<16xf32>
        %parallel_loop3A_197 = arith.select %parallel_loop3A_193, %parallel_loop3A_194, %parallel_loop3A_196 : vector<16xi1>, vector<16xf32>
        %parallel_loop3A_198 = arith.constant 4096 : i32
        %parallel_loop3A_199 = arith.addi %parallel_loop3A_198, %parallel_loop3A_186 : i32
        %parallel_loop3A_200 = arith.index_cast %parallel_loop3A_199 : i32 to index
        %parallel_loop3A_201 = tpu.vector_load %arg9[%parallel_loop3A_200] {strides = array<i32>} : memref<16384xf32, #tpu.memory_space<vmem>>, vector<16xf32>,
        tpu.vector_store %arg9[%parallel_loop3A_200], %parallel_loop3A_197 {add = true, strides = array<i32>} : memref<16384xf32, #tpu.memory_space<vmem>>, vector<16xf32>,
      } {sc.loop_unroll_factor = 8 : i64, sc.parallel_access}
      %parallel_loop3A_73 = arith.constant 0 : i32
      %parallel_loop3A_74 = arith.constant 2048 : i32
      %parallel_loop3A_75 = arith.constant 16 : i32
      scf.for %parallel_loop3A_186 = %parallel_loop3A_73 to %parallel_loop3A_74 step %parallel_loop3A_75  : i32 {
        %parallel_loop3A_187 = arith.constant 1 : i32
        %parallel_loop3A_188 = arith.index_cast %parallel_loop3A_187 : i32 to index
        %parallel_loop3A_189 = arith.index_cast %parallel_loop3A_186 : i32 to index
        %parallel_loop3A_190 = tpu.vector_load %arg8[%parallel_loop3A_188, %parallel_loop3A_189] {strides = array<i32>} : memref<2x2048xi32, #tpu.memory_space<vmem>>, vector<16xi32>,
        %parallel_loop3A_191 = arith.constant 50048 : i32
        %parallel_loop3A_192 = vector.broadcast %parallel_loop3A_191 : i32 to vector<16xi32>
        %parallel_loop3A_193 = arith.cmpi slt, %parallel_loop3A_190, %parallel_loop3A_192 : vector<16xi32>
        %parallel_loop3A_194 = tpu.vector_load_idx %arg5[%parallel_loop3A_190] masked %parallel_loop3A_193 : memref<50048xf32, #tpu.memory_space<vmem>>[vector<16xi32>], vector<16xf32>, vector<16xi1>
        %parallel_loop3A_195 = arith.constant 0.000000e+00 : f32
        %parallel_loop3A_196 = vector.broadcast %parallel_loop3A_195 : f32 to vector<16xf32>
        %parallel_loop3A_197 = arith.select %parallel_loop3A_193, %parallel_loop3A_194, %parallel_loop3A_196 : vector<16xi1>, vector<16xf32>
        %parallel_loop3A_198 = arith.constant 6144 : i32
        %parallel_loop3A_199 = arith.addi %parallel_loop3A_198, %parallel_loop3A_186 : i32
        %parallel_loop3A_200 = arith.index_cast %parallel_loop3A_199 : i32 to index
        %parallel_loop3A_201 = tpu.vector_load %arg9[%parallel_loop3A_200] {strides = array<i32>} : memref<16384xf32, #tpu.memory_space<vmem>>, vector<16xf32>,
        tpu.vector_store %arg9[%parallel_loop3A_200], %parallel_loop3A_197 {add = true, strides = array<i32>} : memref<16384xf32, #tpu.memory_space<vmem>>, vector<16xf32>,
      } {sc.loop_unroll_factor = 8 : i64, sc.parallel_access}
      %mul3A_76 = arith.constant 8 : i32
      %mul3A_77 = arith.muli %scan3A_28, %mul3A_76 : i32
      %add3A_78 = arith.constant 6 : i32
      %add3A_79 = arith.addi %mul3A_77, %add3A_78 : i32
      %dma_start3A_80 = arith.constant 0 : i32
      %dma_start3A_81 = tpu.memref_slice %arg3[%add3A_79, %dma_start3A_80] : memref<208x2048xi32, #tpu.memory_space<hbm>> -> memref<2x2048xi32, #tpu.memory_space<hbm>>
      %dma_start3A_82 = arith.constant 0 : i32
      %dma_start3A_83 = tpu.memref_slice %arg3[%add3A_79, %dma_start3A_82] : memref<208x2048xi32, #tpu.memory_space<hbm>> -> memref<2x2048xi32, #tpu.memory_space<hbm>>
      tpu.enqueue_dma source(%dma_start3A_83 : memref<2x2048xi32, #tpu.memory_space<hbm>>) target(%arg8 : memref<2x2048xi32, #tpu.memory_space<vmem>>) target_semaphore(%arg13 : memref<!tpu.dma_semaphore, #tpu.memory_space<semaphore_mem>>)
      %dma_wait3A_84 = arith.constant 0 : i32
      %dma_wait3A_85 = arith.constant 0 : i32
      %dma_wait3A_86 = tpu.memref_slice %arg3[%dma_wait3A_84, %dma_wait3A_85] : memref<208x2048xi32, #tpu.memory_space<hbm>> -> memref<2x2048xi32, #tpu.memory_space<hbm>>
      %dma_wait3A_87 = arith.constant 0 : i32
      %dma_wait3A_88 = arith.constant 0 : i32
      %dma_wait3A_89 = tpu.memref_slice %arg3[%dma_wait3A_87, %dma_wait3A_88] : memref<208x2048xi32, #tpu.memory_space<hbm>> -> memref<2x2048xi32, #tpu.memory_space<hbm>>
      tpu.wait_dma2 semaphore(%arg12 : memref<!tpu.dma_semaphore, #tpu.memory_space<semaphore_mem>>) src(%dma_wait3A_89 : memref<2x2048xi32, #tpu.memory_space<hbm>>) dst(%arg7 : memref<2x2048xi32, #tpu.memory_space<vmem>>)
      %parallel_loop3A_90 = arith.constant 0 : i32
      %parallel_loop3A_91 = arith.constant 2048 : i32
      %parallel_loop3A_92 = arith.constant 16 : i32
      scf.for %parallel_loop3A_186 = %parallel_loop3A_90 to %parallel_loop3A_91 step %parallel_loop3A_92  : i32 {
        %parallel_loop3A_187 = arith.constant 0 : i32
        %parallel_loop3A_188 = arith.index_cast %parallel_loop3A_187 : i32 to index
        %parallel_loop3A_189 = arith.index_cast %parallel_loop3A_186 : i32 to index
        %parallel_loop3A_190 = tpu.vector_load %arg7[%parallel_loop3A_188, %parallel_loop3A_189] {strides = array<i32>} : memref<2x2048xi32, #tpu.memory_space<vmem>>, vector<16xi32>,
        %parallel_loop3A_191 = arith.constant 50048 : i32
        %parallel_loop3A_192 = vector.broadcast %parallel_loop3A_191 : i32 to vector<16xi32>
        %parallel_loop3A_193 = arith.cmpi slt, %parallel_loop3A_190, %parallel_loop3A_192 : vector<16xi32>
        %parallel_loop3A_194 = tpu.vector_load_idx %arg5[%parallel_loop3A_190] masked %parallel_loop3A_193 : memref<50048xf32, #tpu.memory_space<vmem>>[vector<16xi32>], vector<16xf32>, vector<16xi1>
        %parallel_loop3A_195 = arith.constant 0.000000e+00 : f32
        %parallel_loop3A_196 = vector.broadcast %parallel_loop3A_195 : f32 to vector<16xf32>
        %parallel_loop3A_197 = arith.select %parallel_loop3A_193, %parallel_loop3A_194, %parallel_loop3A_196 : vector<16xi1>, vector<16xf32>
        %parallel_loop3A_198 = arith.constant 8192 : i32
        %parallel_loop3A_199 = arith.addi %parallel_loop3A_198, %parallel_loop3A_186 : i32
        %parallel_loop3A_200 = arith.index_cast %parallel_loop3A_199 : i32 to index
        %parallel_loop3A_201 = tpu.vector_load %arg9[%parallel_loop3A_200] {strides = array<i32>} : memref<16384xf32, #tpu.memory_space<vmem>>, vector<16xf32>,
        tpu.vector_store %arg9[%parallel_loop3A_200], %parallel_loop3A_197 {add = true, strides = array<i32>} : memref<16384xf32, #tpu.memory_space<vmem>>, vector<16xf32>,
      } {sc.loop_unroll_factor = 8 : i64, sc.parallel_access}
      %parallel_loop3A_93 = arith.constant 0 : i32
      %parallel_loop3A_94 = arith.constant 2048 : i32
      %parallel_loop3A_95 = arith.constant 16 : i32
      scf.for %parallel_loop3A_186 = %parallel_loop3A_93 to %parallel_loop3A_94 step %parallel_loop3A_95  : i32 {
        %parallel_loop3A_187 = arith.constant 1 : i32
        %parallel_loop3A_188 = arith.index_cast %parallel_loop3A_187 : i32 to index
        %parallel_loop3A_189 = arith.index_cast %parallel_loop3A_186 : i32 to index
        %parallel_loop3A_190 = tpu.vector_load %arg7[%parallel_loop3A_188, %parallel_loop3A_189] {strides = array<i32>} : memref<2x2048xi32, #tpu.memory_space<vmem>>, vector<16xi32>,
        %parallel_loop3A_191 = arith.constant 50048 : i32
        %parallel_loop3A_192 = vector.broadcast %parallel_loop3A_191 : i32 to vector<16xi32>
        %parallel_loop3A_193 = arith.cmpi slt, %parallel_loop3A_190, %parallel_loop3A_192 : vector<16xi32>
        %parallel_loop3A_194 = tpu.vector_load_idx %arg5[%parallel_loop3A_190] masked %parallel_loop3A_193 : memref<50048xf32, #tpu.memory_space<vmem>>[vector<16xi32>], vector<16xf32>, vector<16xi1>
        %parallel_loop3A_195 = arith.constant 0.000000e+00 : f32
        %parallel_loop3A_196 = vector.broadcast %parallel_loop3A_195 : f32 to vector<16xf32>
        %parallel_loop3A_197 = arith.select %parallel_loop3A_193, %parallel_loop3A_194, %parallel_loop3A_196 : vector<16xi1>, vector<16xf32>
        %parallel_loop3A_198 = arith.constant 10240 : i32
        %parallel_loop3A_199 = arith.addi %parallel_loop3A_198, %parallel_loop3A_186 : i32
        %parallel_loop3A_200 = arith.index_cast %parallel_loop3A_199 : i32 to index
        %parallel_loop3A_201 = tpu.vector_load %arg9[%parallel_loop3A_200] {strides = array<i32>} : memref<16384xf32, #tpu.memory_space<vmem>>, vector<16xf32>,
        tpu.vector_store %arg9[%parallel_loop3A_200], %parallel_loop3A_197 {add = true, strides = array<i32>} : memref<16384xf32, #tpu.memory_space<vmem>>, vector<16xf32>,
      } {sc.loop_unroll_factor = 8 : i64, sc.parallel_access}
      %dma_wait3A_96 = arith.constant 0 : i32
      %dma_wait3A_97 = arith.constant 0 : i32
      %dma_wait3A_98 = tpu.memref_slice %arg3[%dma_wait3A_96, %dma_wait3A_97] : memref<208x2048xi32, #tpu.memory_space<hbm>> -> memref<2x2048xi32, #tpu.memory_space<hbm>>
      %dma_wait3A_99 = arith.constant 0 : i32
      %dma_wait3A_100 = arith.constant 0 : i32
      %dma_wait3A_101 = tpu.memref_slice %arg3[%dma_wait3A_99, %dma_wait3A_100] : memref<208x2048xi32, #tpu.memory_space<hbm>> -> memref<2x2048xi32, #tpu.memory_space<hbm>>
      tpu.wait_dma2 semaphore(%arg13 : memref<!tpu.dma_semaphore, #tpu.memory_space<semaphore_mem>>) src(%dma_wait3A_101 : memref<2x2048xi32, #tpu.memory_space<hbm>>) dst(%arg8 : memref<2x2048xi32, #tpu.memory_space<vmem>>)
      %parallel_loop3A_102 = arith.constant 0 : i32
      %parallel_loop3A_103 = arith.constant 2048 : i32
      %parallel_loop3A_104 = arith.constant 16 : i32
      scf.for %parallel_loop3A_186 = %parallel_loop3A_102 to %parallel_loop3A_103 step %parallel_loop3A_104  : i32 {
        %parallel_loop3A_187 = arith.constant 0 : i32
        %parallel_loop3A_188 = arith.index_cast %parallel_loop3A_187 : i32 to index
        %parallel_loop3A_189 = arith.index_cast %parallel_loop3A_186 : i32 to index
        %parallel_loop3A_190 = tpu.vector_load %arg8[%parallel_loop3A_188, %parallel_loop3A_189] {strides = array<i32>} : memref<2x2048xi32, #tpu.memory_space<vmem>>, vector<16xi32>,
        %parallel_loop3A_191 = arith.constant 50048 : i32
        %parallel_loop3A_192 = vector.broadcast %parallel_loop3A_191 : i32 to vector<16xi32>
        %parallel_loop3A_193 = arith.cmpi slt, %parallel_loop3A_190, %parallel_loop3A_192 : vector<16xi32>
        %parallel_loop3A_194 = tpu.vector_load_idx %arg5[%parallel_loop3A_190] masked %parallel_loop3A_193 : memref<50048xf32, #tpu.memory_space<vmem>>[vector<16xi32>], vector<16xf32>, vector<16xi1>
        %parallel_loop3A_195 = arith.constant 0.000000e+00 : f32
        %parallel_loop3A_196 = vector.broadcast %parallel_loop3A_195 : f32 to vector<16xf32>
        %parallel_loop3A_197 = arith.select %parallel_loop3A_193, %parallel_loop3A_194, %parallel_loop3A_196 : vector<16xi1>, vector<16xf32>
        %parallel_loop3A_198 = arith.constant 12288 : i32
        %parallel_loop3A_199 = arith.addi %parallel_loop3A_198, %parallel_loop3A_186 : i32
        %parallel_loop3A_200 = arith.index_cast %parallel_loop3A_199 : i32 to index
        %parallel_loop3A_201 = tpu.vector_load %arg9[%parallel_loop3A_200] {strides = array<i32>} : memref<16384xf32, #tpu.memory_space<vmem>>, vector<16xf32>,
        tpu.vector_store %arg9[%parallel_loop3A_200], %parallel_loop3A_197 {add = true, strides = array<i32>} : memref<16384xf32, #tpu.memory_space<vmem>>, vector<16xf32>,
      } {sc.loop_unroll_factor = 8 : i64, sc.parallel_access}
      %parallel_loop3A_105 = arith.constant 0 : i32
      %parallel_loop3A_106 = arith.constant 2048 : i32
      %parallel_loop3A_107 = arith.constant 16 : i32
      scf.for %parallel_loop3A_186 = %parallel_loop3A_105 to %parallel_loop3A_106 step %parallel_loop3A_107  : i32 {
        %parallel_loop3A_187 = arith.constant 1 : i32
        %parallel_loop3A_188 = arith.index_cast %parallel_loop3A_187 : i32 to index
        %parallel_loop3A_189 = arith.index_cast %parallel_loop3A_186 : i32 to index
        %parallel_loop3A_190 = tpu.vector_load %arg8[%parallel_loop3A_188, %parallel_loop3A_189] {strides = array<i32>} : memref<2x2048xi32, #tpu.memory_space<vmem>>, vector<16xi32>,
        %parallel_loop3A_191 = arith.constant 50048 : i32
        %parallel_loop3A_192 = vector.broadcast %parallel_loop3A_191 : i32 to vector<16xi32>
        %parallel_loop3A_193 = arith.cmpi slt, %parallel_loop3A_190, %parallel_loop3A_192 : vector<16xi32>
        %parallel_loop3A_194 = tpu.vector_load_idx %arg5[%parallel_loop3A_190] masked %parallel_loop3A_193 : memref<50048xf32, #tpu.memory_space<vmem>>[vector<16xi32>], vector<16xf32>, vector<16xi1>
        %parallel_loop3A_195 = arith.constant 0.000000e+00 : f32
        %parallel_loop3A_196 = vector.broadcast %parallel_loop3A_195 : f32 to vector<16xf32>
        %parallel_loop3A_197 = arith.select %parallel_loop3A_193, %parallel_loop3A_194, %parallel_loop3A_196 : vector<16xi1>, vector<16xf32>
        %parallel_loop3A_198 = arith.constant 14336 : i32
        %parallel_loop3A_199 = arith.addi %parallel_loop3A_198, %parallel_loop3A_186 : i32
        %parallel_loop3A_200 = arith.index_cast %parallel_loop3A_199 : i32 to index
        %parallel_loop3A_201 = tpu.vector_load %arg9[%parallel_loop3A_200] {strides = array<i32>} : memref<16384xf32, #tpu.memory_space<vmem>>, vector<16xf32>,
        tpu.vector_store %arg9[%parallel_loop3A_200], %parallel_loop3A_197 {add = true, strides = array<i32>} : memref<16384xf32, #tpu.memory_space<vmem>>, vector<16xf32>,
      } {sc.loop_unroll_factor = 8 : i64, sc.parallel_access}
      %add3A_108 = arith.constant 1 : i32
      %add3A_109 = arith.addi %scan3A_28, %add3A_108 : i32
      %lt3A = arith.constant 26 : i32
      %lt3A_110 = arith.cmpi slt, %add3A_109, %lt3A : i32
      %convert_element_type3A = arith.extui %lt3A_110 : i1 to i32
      %cond3A = arith.constant 0 : i32
      %cond3A_111 = arith.cmpi ne, %convert_element_type3A, %cond3A : i32
      scf.if %cond3A_111 {
        %add3A_186 = arith.constant 1 : i32
        %add3A_187 = arith.addi %scan3A_28, %add3A_186 : i32
        %dma_start3A_188 = arith.constant 0 : i32
        %dma_start3A_189 = tpu.memref_slice %arg2[%add3A_187, %add3A, %dma_start3A_188] : memref<26x32x100001xf32, #tpu.memory_space<hbm>> -> memref<1x1x50048xf32, #tpu.memory_space<hbm>>
        %dma_start3A_190 = tpu.memref_squeeze %dma_start3A_189 : memref<1x1x50048xf32, #tpu.memory_space<hbm>> -> memref<50048xf32, #tpu.memory_space<hbm>>
        %dma_start3A_191 = arith.constant 0 : i32
        %dma_start3A_192 = tpu.memref_slice %arg2[%add3A_187, %add3A, %dma_start3A_191] : memref<26x32x100001xf32, #tpu.memory_space<hbm>> -> memref<1x1x50048xf32, #tpu.memory_space<hbm>>
        %dma_start3A_193 = tpu.memref_squeeze %dma_start3A_192 : memref<1x1x50048xf32, #tpu.memory_space<hbm>> -> memref<50048xf32, #tpu.memory_space<hbm>>
        tpu.enqueue_dma source(%dma_start3A_193 : memref<50048xf32, #tpu.memory_space<hbm>>) target(%arg5 : memref<50048xf32, #tpu.memory_space<vmem>>) target_semaphore(%arg10 : memref<!tpu.dma_semaphore, #tpu.memory_space<semaphore_mem>>)
      } else {
      }
      %dma_wait3A_112 = arith.constant 0 : i32
      %dma_wait3A_113 = arith.constant 0 : i32
      %dma_wait3A_114 = arith.constant 50048 : i32
      %dma_wait3A_115 = tpu.memref_slice %arg2[%dma_wait3A_112, %dma_wait3A_113, %dma_wait3A_114] : memref<26x32x100001xf32, #tpu.memory_space<hbm>> -> memref<1x1x49953xf32, #tpu.memory_space<hbm>>
      %dma_wait3A_116 = tpu.memref_squeeze %dma_wait3A_115 : memref<1x1x49953xf32, #tpu.memory_space<hbm>> -> memref<49953xf32, #tpu.memory_space<hbm>>
      %dma_wait3A_117 = arith.constant 50048 : i32
      %dma_wait3A_118 = tpu.memref_slice %arg2[%dma_wait3A_112, %dma_wait3A_113, %dma_wait3A_117] : memref<26x32x100001xf32, #tpu.memory_space<hbm>> -> memref<1x1x49953xf32, #tpu.memory_space<hbm>>
      %dma_wait3A_119 = tpu.memref_squeeze %dma_wait3A_118 : memref<1x1x49953xf32, #tpu.memory_space<hbm>> -> memref<49953xf32, #tpu.memory_space<hbm>>
      tpu.wait_dma2 semaphore(%arg11 : memref<!tpu.dma_semaphore, #tpu.memory_space<semaphore_mem>>) src(%dma_wait3A_119 : memref<49953xf32, #tpu.memory_space<hbm>>) dst(%arg6 : memref<49953xf32, #tpu.memory_space<vmem>>)
      %parallel_loop3A_120 = arith.constant 0 : i32
      %parallel_loop3A_121 = arith.constant 2048 : i32
      %parallel_loop3A_122 = arith.constant 16 : i32
      scf.for %parallel_loop3A_186 = %parallel_loop3A_120 to %parallel_loop3A_121 step %parallel_loop3A_122  : i32 {
        %parallel_loop3A_187 = arith.constant 0 : i32
        %parallel_loop3A_188 = arith.index_cast %parallel_loop3A_187 : i32 to index
        %parallel_loop3A_189 = arith.index_cast %parallel_loop3A_186 : i32 to index
        %parallel_loop3A_190 = tpu.vector_load %arg7[%parallel_loop3A_188, %parallel_loop3A_189] {strides = array<i32>} : memref<2x2048xi32, #tpu.memory_space<vmem>>, vector<16xi32>,
        %parallel_loop3A_191 = arith.constant 50048 : i32
        %parallel_loop3A_192 = vector.broadcast %parallel_loop3A_191 : i32 to vector<16xi32>
        %parallel_loop3A_193 = arith.cmpi sge, %parallel_loop3A_190, %parallel_loop3A_192 : vector<16xi32>
        %parallel_loop3A_194 = arith.constant 50048 : i32
        %parallel_loop3A_195 = vector.broadcast %parallel_loop3A_194 : i32 to vector<16xi32>
        %parallel_loop3A_196 = arith.subi %parallel_loop3A_190, %parallel_loop3A_195 : vector<16xi32>
        %parallel_loop3A_197 = tpu.vector_load_idx %arg6[%parallel_loop3A_196] masked %parallel_loop3A_193 : memref<49953xf32, #tpu.memory_space<vmem>>[vector<16xi32>], vector<16xf32>, vector<16xi1>
        %parallel_loop3A_198 = arith.constant 0.000000e+00 : f32
        %parallel_loop3A_199 = vector.broadcast %parallel_loop3A_198 : f32 to vector<16xf32>
        %parallel_loop3A_200 = arith.select %parallel_loop3A_193, %parallel_loop3A_197, %parallel_loop3A_199 : vector<16xi1>, vector<16xf32>
        %parallel_loop3A_201 = arith.constant 8192 : i32
        %parallel_loop3A_202 = arith.addi %parallel_loop3A_201, %parallel_loop3A_186 : i32
        %parallel_loop3A_203 = arith.index_cast %parallel_loop3A_202 : i32 to index
        %parallel_loop3A_204 = tpu.vector_load %arg9[%parallel_loop3A_203] {strides = array<i32>} : memref<16384xf32, #tpu.memory_space<vmem>>, vector<16xf32>,
        tpu.vector_store %arg9[%parallel_loop3A_203], %parallel_loop3A_200 {add = true, strides = array<i32>} : memref<16384xf32, #tpu.memory_space<vmem>>, vector<16xf32>,
      } {sc.loop_unroll_factor = 8 : i64, sc.parallel_access}
      %parallel_loop3A_123 = arith.constant 0 : i32
      %parallel_loop3A_124 = arith.constant 2048 : i32
      %parallel_loop3A_125 = arith.constant 16 : i32
      scf.for %parallel_loop3A_186 = %parallel_loop3A_123 to %parallel_loop3A_124 step %parallel_loop3A_125  : i32 {
        %parallel_loop3A_187 = arith.constant 1 : i32
        %parallel_loop3A_188 = arith.index_cast %parallel_loop3A_187 : i32 to index
        %parallel_loop3A_189 = arith.index_cast %parallel_loop3A_186 : i32 to index
        %parallel_loop3A_190 = tpu.vector_load %arg7[%parallel_loop3A_188, %parallel_loop3A_189] {strides = array<i32>} : memref<2x2048xi32, #tpu.memory_space<vmem>>, vector<16xi32>,
        %parallel_loop3A_191 = arith.constant 50048 : i32
        %parallel_loop3A_192 = vector.broadcast %parallel_loop3A_191 : i32 to vector<16xi32>
        %parallel_loop3A_193 = arith.cmpi sge, %parallel_loop3A_190, %parallel_loop3A_192 : vector<16xi32>
        %parallel_loop3A_194 = arith.constant 50048 : i32
        %parallel_loop3A_195 = vector.broadcast %parallel_loop3A_194 : i32 to vector<16xi32>
        %parallel_loop3A_196 = arith.subi %parallel_loop3A_190, %parallel_loop3A_195 : vector<16xi32>
        %parallel_loop3A_197 = tpu.vector_load_idx %arg6[%parallel_loop3A_196] masked %parallel_loop3A_193 : memref<49953xf32, #tpu.memory_space<vmem>>[vector<16xi32>], vector<16xf32>, vector<16xi1>
        %parallel_loop3A_198 = arith.constant 0.000000e+00 : f32
        %parallel_loop3A_199 = vector.broadcast %parallel_loop3A_198 : f32 to vector<16xf32>
        %parallel_loop3A_200 = arith.select %parallel_loop3A_193, %parallel_loop3A_197, %parallel_loop3A_199 : vector<16xi1>, vector<16xf32>
        %parallel_loop3A_201 = arith.constant 10240 : i32
        %parallel_loop3A_202 = arith.addi %parallel_loop3A_201, %parallel_loop3A_186 : i32
        %parallel_loop3A_203 = arith.index_cast %parallel_loop3A_202 : i32 to index
        %parallel_loop3A_204 = tpu.vector_load %arg9[%parallel_loop3A_203] {strides = array<i32>} : memref<16384xf32, #tpu.memory_space<vmem>>, vector<16xf32>,
        tpu.vector_store %arg9[%parallel_loop3A_203], %parallel_loop3A_200 {add = true, strides = array<i32>} : memref<16384xf32, #tpu.memory_space<vmem>>, vector<16xf32>,
      } {sc.loop_unroll_factor = 8 : i64, sc.parallel_access}
      %mul3A_126 = arith.constant 8 : i32
      %mul3A_127 = arith.muli %scan3A_28, %mul3A_126 : i32
      %add3A_128 = arith.constant 0 : i32
      %add3A_129 = arith.addi %mul3A_127, %add3A_128 : i32
      %dma_start3A_130 = arith.constant 0 : i32
      %dma_start3A_131 = tpu.memref_slice %arg3[%add3A_129, %dma_start3A_130] : memref<208x2048xi32, #tpu.memory_space<hbm>> -> memref<2x2048xi32, #tpu.memory_space<hbm>>
      %dma_start3A_132 = arith.constant 0 : i32
      %dma_start3A_133 = tpu.memref_slice %arg3[%add3A_129, %dma_start3A_132] : memref<208x2048xi32, #tpu.memory_space<hbm>> -> memref<2x2048xi32, #tpu.memory_space<hbm>>
      tpu.enqueue_dma source(%dma_start3A_133 : memref<2x2048xi32, #tpu.memory_space<hbm>>) target(%arg7 : memref<2x2048xi32, #tpu.memory_space<vmem>>) target_semaphore(%arg12 : memref<!tpu.dma_semaphore, #tpu.memory_space<semaphore_mem>>)
      %parallel_loop3A_134 = arith.constant 0 : i32
      %parallel_loop3A_135 = arith.constant 2048 : i32
      %parallel_loop3A_136 = arith.constant 16 : i32
      scf.for %parallel_loop3A_186 = %parallel_loop3A_134 to %parallel_loop3A_135 step %parallel_loop3A_136  : i32 {
        %parallel_loop3A_187 = arith.constant 0 : i32
        %parallel_loop3A_188 = arith.index_cast %parallel_loop3A_187 : i32 to index
        %parallel_loop3A_189 = arith.index_cast %parallel_loop3A_186 : i32 to index
        %parallel_loop3A_190 = tpu.vector_load %arg8[%parallel_loop3A_188, %parallel_loop3A_189] {strides = array<i32>} : memref<2x2048xi32, #tpu.memory_space<vmem>>, vector<16xi32>,
        %parallel_loop3A_191 = arith.constant 50048 : i32
        %parallel_loop3A_192 = vector.broadcast %parallel_loop3A_191 : i32 to vector<16xi32>
        %parallel_loop3A_193 = arith.cmpi sge, %parallel_loop3A_190, %parallel_loop3A_192 : vector<16xi32>
        %parallel_loop3A_194 = arith.constant 50048 : i32
        %parallel_loop3A_195 = vector.broadcast %parallel_loop3A_194 : i32 to vector<16xi32>
        %parallel_loop3A_196 = arith.subi %parallel_loop3A_190, %parallel_loop3A_195 : vector<16xi32>
        %parallel_loop3A_197 = tpu.vector_load_idx %arg6[%parallel_loop3A_196] masked %parallel_loop3A_193 : memref<49953xf32, #tpu.memory_space<vmem>>[vector<16xi32>], vector<16xf32>, vector<16xi1>
        %parallel_loop3A_198 = arith.constant 0.000000e+00 : f32
        %parallel_loop3A_199 = vector.broadcast %parallel_loop3A_198 : f32 to vector<16xf32>
        %parallel_loop3A_200 = arith.select %parallel_loop3A_193, %parallel_loop3A_197, %parallel_loop3A_199 : vector<16xi1>, vector<16xf32>
        %parallel_loop3A_201 = arith.constant 12288 : i32
        %parallel_loop3A_202 = arith.addi %parallel_loop3A_201, %parallel_loop3A_186 : i32
        %parallel_loop3A_203 = arith.index_cast %parallel_loop3A_202 : i32 to index
        %parallel_loop3A_204 = tpu.vector_load %arg9[%parallel_loop3A_203] {strides = array<i32>} : memref<16384xf32, #tpu.memory_space<vmem>>, vector<16xf32>,
        tpu.vector_store %arg9[%parallel_loop3A_203], %parallel_loop3A_200 {add = true, strides = array<i32>} : memref<16384xf32, #tpu.memory_space<vmem>>, vector<16xf32>,
      } {sc.loop_unroll_factor = 8 : i64, sc.parallel_access}
      %parallel_loop3A_137 = arith.constant 0 : i32
      %parallel_loop3A_138 = arith.constant 2048 : i32
      %parallel_loop3A_139 = arith.constant 16 : i32
      scf.for %parallel_loop3A_186 = %parallel_loop3A_137 to %parallel_loop3A_138 step %parallel_loop3A_139  : i32 {
        %parallel_loop3A_187 = arith.constant 1 : i32
        %parallel_loop3A_188 = arith.index_cast %parallel_loop3A_187 : i32 to index
        %parallel_loop3A_189 = arith.index_cast %parallel_loop3A_186 : i32 to index
        %parallel_loop3A_190 = tpu.vector_load %arg8[%parallel_loop3A_188, %parallel_loop3A_189] {strides = array<i32>} : memref<2x2048xi32, #tpu.memory_space<vmem>>, vector<16xi32>,
        %parallel_loop3A_191 = arith.constant 50048 : i32
        %parallel_loop3A_192 = vector.broadcast %parallel_loop3A_191 : i32 to vector<16xi32>
        %parallel_loop3A_193 = arith.cmpi sge, %parallel_loop3A_190, %parallel_loop3A_192 : vector<16xi32>
        %parallel_loop3A_194 = arith.constant 50048 : i32
        %parallel_loop3A_195 = vector.broadcast %parallel_loop3A_194 : i32 to vector<16xi32>
        %parallel_loop3A_196 = arith.subi %parallel_loop3A_190, %parallel_loop3A_195 : vector<16xi32>
        %parallel_loop3A_197 = tpu.vector_load_idx %arg6[%parallel_loop3A_196] masked %parallel_loop3A_193 : memref<49953xf32, #tpu.memory_space<vmem>>[vector<16xi32>], vector<16xf32>, vector<16xi1>
        %parallel_loop3A_198 = arith.constant 0.000000e+00 : f32
        %parallel_loop3A_199 = vector.broadcast %parallel_loop3A_198 : f32 to vector<16xf32>
        %parallel_loop3A_200 = arith.select %parallel_loop3A_193, %parallel_loop3A_197, %parallel_loop3A_199 : vector<16xi1>, vector<16xf32>
        %parallel_loop3A_201 = arith.constant 14336 : i32
        %parallel_loop3A_202 = arith.addi %parallel_loop3A_201, %parallel_loop3A_186 : i32
        %parallel_loop3A_203 = arith.index_cast %parallel_loop3A_202 : i32 to index
        %parallel_loop3A_204 = tpu.vector_load %arg9[%parallel_loop3A_203] {strides = array<i32>} : memref<16384xf32, #tpu.memory_space<vmem>>, vector<16xf32>,
        tpu.vector_store %arg9[%parallel_loop3A_203], %parallel_loop3A_200 {add = true, strides = array<i32>} : memref<16384xf32, #tpu.memory_space<vmem>>, vector<16xf32>,
      } {sc.loop_unroll_factor = 8 : i64, sc.parallel_access}
      %mul3A_140 = arith.constant 8 : i32
      %mul3A_141 = arith.muli %scan3A_28, %mul3A_140 : i32
      %add3A_142 = arith.constant 2 : i32
      %add3A_143 = arith.addi %mul3A_141, %add3A_142 : i32
      %dma_start3A_144 = arith.constant 0 : i32
      %dma_start3A_145 = tpu.memref_slice %arg3[%add3A_143, %dma_start3A_144] : memref<208x2048xi32, #tpu.memory_space<hbm>> -> memref<2x2048xi32, #tpu.memory_space<hbm>>
      %dma_start3A_146 = arith.constant 0 : i32
      %dma_start3A_147 = tpu.memref_slice %arg3[%add3A_143, %dma_start3A_146] : memref<208x2048xi32, #tpu.memory_space<hbm>> -> memref<2x2048xi32, #tpu.memory_space<hbm>>
      tpu.enqueue_dma source(%dma_start3A_147 : memref<2x2048xi32, #tpu.memory_space<hbm>>) target(%arg8 : memref<2x2048xi32, #tpu.memory_space<vmem>>) target_semaphore(%arg13 : memref<!tpu.dma_semaphore, #tpu.memory_space<semaphore_mem>>)
      %dma_wait3A_148 = arith.constant 0 : i32
      %dma_wait3A_149 = arith.constant 0 : i32
      %dma_wait3A_150 = tpu.memref_slice %arg3[%dma_wait3A_148, %dma_wait3A_149] : memref<208x2048xi32, #tpu.memory_space<hbm>> -> memref<2x2048xi32, #tpu.memory_space<hbm>>
      %dma_wait3A_151 = arith.constant 0 : i32
      %dma_wait3A_152 = arith.constant 0 : i32
      %dma_wait3A_153 = tpu.memref_slice %arg3[%dma_wait3A_151, %dma_wait3A_152] : memref<208x2048xi32, #tpu.memory_space<hbm>> -> memref<2x2048xi32, #tpu.memory_space<hbm>>
      tpu.wait_dma2 semaphore(%arg12 : memref<!tpu.dma_semaphore, #tpu.memory_space<semaphore_mem>>) src(%dma_wait3A_153 : memref<2x2048xi32, #tpu.memory_space<hbm>>) dst(%arg7 : memref<2x2048xi32, #tpu.memory_space<vmem>>)
      %parallel_loop3A_154 = arith.constant 0 : i32
      %parallel_loop3A_155 = arith.constant 2048 : i32
      %parallel_loop3A_156 = arith.constant 16 : i32
      scf.for %parallel_loop3A_186 = %parallel_loop3A_154 to %parallel_loop3A_155 step %parallel_loop3A_156  : i32 {
        %parallel_loop3A_187 = arith.constant 0 : i32
        %parallel_loop3A_188 = arith.index_cast %parallel_loop3A_187 : i32 to index
        %parallel_loop3A_189 = arith.index_cast %parallel_loop3A_186 : i32 to index
        %parallel_loop3A_190 = tpu.vector_load %arg7[%parallel_loop3A_188, %parallel_loop3A_189] {strides = array<i32>} : memref<2x2048xi32, #tpu.memory_space<vmem>>, vector<16xi32>,
        %parallel_loop3A_191 = arith.constant 50048 : i32
        %parallel_loop3A_192 = vector.broadcast %parallel_loop3A_191 : i32 to vector<16xi32>
        %parallel_loop3A_193 = arith.cmpi sge, %parallel_loop3A_190, %parallel_loop3A_192 : vector<16xi32>
        %parallel_loop3A_194 = arith.constant 50048 : i32
        %parallel_loop3A_195 = vector.broadcast %parallel_loop3A_194 : i32 to vector<16xi32>
        %parallel_loop3A_196 = arith.subi %parallel_loop3A_190, %parallel_loop3A_195 : vector<16xi32>
        %parallel_loop3A_197 = tpu.vector_load_idx %arg6[%parallel_loop3A_196] masked %parallel_loop3A_193 : memref<49953xf32, #tpu.memory_space<vmem>>[vector<16xi32>], vector<16xf32>, vector<16xi1>
        %parallel_loop3A_198 = arith.constant 0.000000e+00 : f32
        %parallel_loop3A_199 = vector.broadcast %parallel_loop3A_198 : f32 to vector<16xf32>
        %parallel_loop3A_200 = arith.select %parallel_loop3A_193, %parallel_loop3A_197, %parallel_loop3A_199 : vector<16xi1>, vector<16xf32>
        %parallel_loop3A_201 = arith.constant 0 : i32
        %parallel_loop3A_202 = arith.addi %parallel_loop3A_201, %parallel_loop3A_186 : i32
        %parallel_loop3A_203 = arith.index_cast %parallel_loop3A_202 : i32 to index
        %parallel_loop3A_204 = tpu.vector_load %arg9[%parallel_loop3A_203] {strides = array<i32>} : memref<16384xf32, #tpu.memory_space<vmem>>, vector<16xf32>,
        tpu.vector_store %arg9[%parallel_loop3A_203], %parallel_loop3A_200 {add = true, strides = array<i32>} : memref<16384xf32, #tpu.memory_space<vmem>>, vector<16xf32>,
      } {sc.loop_unroll_factor = 8 : i64, sc.parallel_access}
      %parallel_loop3A_157 = arith.constant 0 : i32
      %parallel_loop3A_158 = arith.constant 2048 : i32
      %parallel_loop3A_159 = arith.constant 16 : i32
      scf.for %parallel_loop3A_186 = %parallel_loop3A_157 to %parallel_loop3A_158 step %parallel_loop3A_159  : i32 {
        %parallel_loop3A_187 = arith.constant 1 : i32
        %parallel_loop3A_188 = arith.index_cast %parallel_loop3A_187 : i32 to index
        %parallel_loop3A_189 = arith.index_cast %parallel_loop3A_186 : i32 to index
        %parallel_loop3A_190 = tpu.vector_load %arg7[%parallel_loop3A_188, %parallel_loop3A_189] {strides = array<i32>} : memref<2x2048xi32, #tpu.memory_space<vmem>>, vector<16xi32>,
        %parallel_loop3A_191 = arith.constant 50048 : i32
        %parallel_loop3A_192 = vector.broadcast %parallel_loop3A_191 : i32 to vector<16xi32>
        %parallel_loop3A_193 = arith.cmpi sge, %parallel_loop3A_190, %parallel_loop3A_192 : vector<16xi32>
        %parallel_loop3A_194 = arith.constant 50048 : i32
        %parallel_loop3A_195 = vector.broadcast %parallel_loop3A_194 : i32 to vector<16xi32>
        %parallel_loop3A_196 = arith.subi %parallel_loop3A_190, %parallel_loop3A_195 : vector<16xi32>
        %parallel_loop3A_197 = tpu.vector_load_idx %arg6[%parallel_loop3A_196] masked %parallel_loop3A_193 : memref<49953xf32, #tpu.memory_space<vmem>>[vector<16xi32>], vector<16xf32>, vector<16xi1>
        %parallel_loop3A_198 = arith.constant 0.000000e+00 : f32
        %parallel_loop3A_199 = vector.broadcast %parallel_loop3A_198 : f32 to vector<16xf32>
        %parallel_loop3A_200 = arith.select %parallel_loop3A_193, %parallel_loop3A_197, %parallel_loop3A_199 : vector<16xi1>, vector<16xf32>
        %parallel_loop3A_201 = arith.constant 2048 : i32
        %parallel_loop3A_202 = arith.addi %parallel_loop3A_201, %parallel_loop3A_186 : i32
        %parallel_loop3A_203 = arith.index_cast %parallel_loop3A_202 : i32 to index
        %parallel_loop3A_204 = tpu.vector_load %arg9[%parallel_loop3A_203] {strides = array<i32>} : memref<16384xf32, #tpu.memory_space<vmem>>, vector<16xf32>,
        tpu.vector_store %arg9[%parallel_loop3A_203], %parallel_loop3A_200 {add = true, strides = array<i32>} : memref<16384xf32, #tpu.memory_space<vmem>>, vector<16xf32>,
      } {sc.loop_unroll_factor = 8 : i64, sc.parallel_access}
      %dma_wait3A_160 = arith.constant 0 : i32
      %dma_wait3A_161 = arith.constant 0 : i32
      %dma_wait3A_162 = tpu.memref_slice %arg3[%dma_wait3A_160, %dma_wait3A_161] : memref<208x2048xi32, #tpu.memory_space<hbm>> -> memref<2x2048xi32, #tpu.memory_space<hbm>>
      %dma_wait3A_163 = arith.constant 0 : i32
      %dma_wait3A_164 = arith.constant 0 : i32
      %dma_wait3A_165 = tpu.memref_slice %arg3[%dma_wait3A_163, %dma_wait3A_164] : memref<208x2048xi32, #tpu.memory_space<hbm>> -> memref<2x2048xi32, #tpu.memory_space<hbm>>
      tpu.wait_dma2 semaphore(%arg13 : memref<!tpu.dma_semaphore, #tpu.memory_space<semaphore_mem>>) src(%dma_wait3A_165 : memref<2x2048xi32, #tpu.memory_space<hbm>>) dst(%arg8 : memref<2x2048xi32, #tpu.memory_space<vmem>>)
      %parallel_loop3A_166 = arith.constant 0 : i32
      %parallel_loop3A_167 = arith.constant 2048 : i32
      %parallel_loop3A_168 = arith.constant 16 : i32
      scf.for %parallel_loop3A_186 = %parallel_loop3A_166 to %parallel_loop3A_167 step %parallel_loop3A_168  : i32 {
        %parallel_loop3A_187 = arith.constant 0 : i32
        %parallel_loop3A_188 = arith.index_cast %parallel_loop3A_187 : i32 to index
        %parallel_loop3A_189 = arith.index_cast %parallel_loop3A_186 : i32 to index
        %parallel_loop3A_190 = tpu.vector_load %arg8[%parallel_loop3A_188, %parallel_loop3A_189] {strides = array<i32>} : memref<2x2048xi32, #tpu.memory_space<vmem>>, vector<16xi32>,
        %parallel_loop3A_191 = arith.constant 50048 : i32
        %parallel_loop3A_192 = vector.broadcast %parallel_loop3A_191 : i32 to vector<16xi32>
        %parallel_loop3A_193 = arith.cmpi sge, %parallel_loop3A_190, %parallel_loop3A_192 : vector<16xi32>
        %parallel_loop3A_194 = arith.constant 50048 : i32
        %parallel_loop3A_195 = vector.broadcast %parallel_loop3A_194 : i32 to vector<16xi32>
        %parallel_loop3A_196 = arith.subi %parallel_loop3A_190, %parallel_loop3A_195 : vector<16xi32>
        %parallel_loop3A_197 = tpu.vector_load_idx %arg6[%parallel_loop3A_196] masked %parallel_loop3A_193 : memref<49953xf32, #tpu.memory_space<vmem>>[vector<16xi32>], vector<16xf32>, vector<16xi1>
        %parallel_loop3A_198 = arith.constant 0.000000e+00 : f32
        %parallel_loop3A_199 = vector.broadcast %parallel_loop3A_198 : f32 to vector<16xf32>
        %parallel_loop3A_200 = arith.select %parallel_loop3A_193, %parallel_loop3A_197, %parallel_loop3A_199 : vector<16xi1>, vector<16xf32>
        %parallel_loop3A_201 = arith.constant 4096 : i32
        %parallel_loop3A_202 = arith.addi %parallel_loop3A_201, %parallel_loop3A_186 : i32
        %parallel_loop3A_203 = arith.index_cast %parallel_loop3A_202 : i32 to index
        %parallel_loop3A_204 = tpu.vector_load %arg9[%parallel_loop3A_203] {strides = array<i32>} : memref<16384xf32, #tpu.memory_space<vmem>>, vector<16xf32>,
        tpu.vector_store %arg9[%parallel_loop3A_203], %parallel_loop3A_200 {add = true, strides = array<i32>} : memref<16384xf32, #tpu.memory_space<vmem>>, vector<16xf32>,
      } {sc.loop_unroll_factor = 8 : i64, sc.parallel_access}
      %parallel_loop3A_169 = arith.constant 0 : i32
      %parallel_loop3A_170 = arith.constant 2048 : i32
      %parallel_loop3A_171 = arith.constant 16 : i32
      scf.for %parallel_loop3A_186 = %parallel_loop3A_169 to %parallel_loop3A_170 step %parallel_loop3A_171  : i32 {
        %parallel_loop3A_187 = arith.constant 1 : i32
        %parallel_loop3A_188 = arith.index_cast %parallel_loop3A_187 : i32 to index
        %parallel_loop3A_189 = arith.index_cast %parallel_loop3A_186 : i32 to index
        %parallel_loop3A_190 = tpu.vector_load %arg8[%parallel_loop3A_188, %parallel_loop3A_189] {strides = array<i32>} : memref<2x2048xi32, #tpu.memory_space<vmem>>, vector<16xi32>,
        %parallel_loop3A_191 = arith.constant 50048 : i32
        %parallel_loop3A_192 = vector.broadcast %parallel_loop3A_191 : i32 to vector<16xi32>
        %parallel_loop3A_193 = arith.cmpi sge, %parallel_loop3A_190, %parallel_loop3A_192 : vector<16xi32>
        %parallel_loop3A_194 = arith.constant 50048 : i32
        %parallel_loop3A_195 = vector.broadcast %parallel_loop3A_194 : i32 to vector<16xi32>
        %parallel_loop3A_196 = arith.subi %parallel_loop3A_190, %parallel_loop3A_195 : vector<16xi32>
        %parallel_loop3A_197 = tpu.vector_load_idx %arg6[%parallel_loop3A_196] masked %parallel_loop3A_193 : memref<49953xf32, #tpu.memory_space<vmem>>[vector<16xi32>], vector<16xf32>, vector<16xi1>
        %parallel_loop3A_198 = arith.constant 0.000000e+00 : f32
        %parallel_loop3A_199 = vector.broadcast %parallel_loop3A_198 : f32 to vector<16xf32>
        %parallel_loop3A_200 = arith.select %parallel_loop3A_193, %parallel_loop3A_197, %parallel_loop3A_199 : vector<16xi1>, vector<16xf32>
        %parallel_loop3A_201 = arith.constant 6144 : i32
        %parallel_loop3A_202 = arith.addi %parallel_loop3A_201, %parallel_loop3A_186 : i32
        %parallel_loop3A_203 = arith.index_cast %parallel_loop3A_202 : i32 to index
        %parallel_loop3A_204 = tpu.vector_load %arg9[%parallel_loop3A_203] {strides = array<i32>} : memref<16384xf32, #tpu.memory_space<vmem>>, vector<16xf32>,
        tpu.vector_store %arg9[%parallel_loop3A_203], %parallel_loop3A_200 {add = true, strides = array<i32>} : memref<16384xf32, #tpu.memory_space<vmem>>, vector<16xf32>,
      } {sc.loop_unroll_factor = 8 : i64, sc.parallel_access}
      %add3A_172 = arith.constant 1 : i32
      %add3A_173 = arith.addi %scan3A_28, %add3A_172 : i32
      %lt3A_174 = arith.constant 26 : i32
      %lt3A_175 = arith.cmpi slt, %add3A_173, %lt3A_174 : i32
      %convert_element_type3A_176 = arith.extui %lt3A_175 : i1 to i32
      %cond3A_177 = arith.constant 0 : i32
      %cond3A_178 = arith.cmpi ne, %convert_element_type3A_176, %cond3A_177 : i32
      scf.if %cond3A_178 {
        %add3A_186 = arith.constant 1 : i32
        %add3A_187 = arith.addi %scan3A_28, %add3A_186 : i32
        %dma_start3A_188 = arith.constant 50048 : i32
        %dma_start3A_189 = tpu.memref_slice %arg2[%add3A_187, %add3A, %dma_start3A_188] : memref<26x32x100001xf32, #tpu.memory_space<hbm>> -> memref<1x1x49953xf32, #tpu.memory_space<hbm>>
        %dma_start3A_190 = tpu.memref_squeeze %dma_start3A_189 : memref<1x1x49953xf32, #tpu.memory_space<hbm>> -> memref<49953xf32, #tpu.memory_space<hbm>>
        %dma_start3A_191 = arith.constant 50048 : i32
        %dma_start3A_192 = tpu.memref_slice %arg2[%add3A_187, %add3A, %dma_start3A_191] : memref<26x32x100001xf32, #tpu.memory_space<hbm>> -> memref<1x1x49953xf32, #tpu.memory_space<hbm>>
        %dma_start3A_193 = tpu.memref_squeeze %dma_start3A_192 : memref<1x1x49953xf32, #tpu.memory_space<hbm>> -> memref<49953xf32, #tpu.memory_space<hbm>>
        tpu.enqueue_dma source(%dma_start3A_193 : memref<49953xf32, #tpu.memory_space<hbm>>) target(%arg6 : memref<49953xf32, #tpu.memory_space<vmem>>) target_semaphore(%arg11 : memref<!tpu.dma_semaphore, #tpu.memory_space<semaphore_mem>>)
      } else {
      }
      %add3A_179 = arith.constant 1 : i32
      %add3A_180 = arith.addi %scan3A_28, %add3A_179 : i32
      %lt3A_181 = arith.constant 26 : i32
      %lt3A_182 = arith.cmpi slt, %add3A_180, %lt3A_181 : i32
      %convert_element_type3A_183 = arith.extui %lt3A_182 : i1 to i32
      %cond3A_184 = arith.constant 0 : i32
      %cond3A_185 = arith.cmpi ne, %convert_element_type3A_183, %cond3A_184 : i32
      scf.if %cond3A_185 {
        %add3A_186 = arith.constant 1 : i32
        %add3A_187 = arith.addi %scan3A_28, %add3A_186 : i32
        %mul3A_188 = arith.constant 8 : i32
        %mul3A_189 = arith.muli %add3A_187, %mul3A_188 : i32
        %add3A_190 = arith.constant 0 : i32
        %add3A_191 = arith.addi %mul3A_189, %add3A_190 : i32
        %dma_start3A_192 = arith.constant 0 : i32
        %dma_start3A_193 = tpu.memref_slice %arg3[%add3A_191, %dma_start3A_192] : memref<208x2048xi32, #tpu.memory_space<hbm>> -> memref<2x2048xi32, #tpu.memory_space<hbm>>
        %dma_start3A_194 = arith.constant 0 : i32
        %dma_start3A_195 = tpu.memref_slice %arg3[%add3A_191, %dma_start3A_194] : memref<208x2048xi32, #tpu.memory_space<hbm>> -> memref<2x2048xi32, #tpu.memory_space<hbm>>
        tpu.enqueue_dma source(%dma_start3A_195 : memref<2x2048xi32, #tpu.memory_space<hbm>>) target(%arg7 : memref<2x2048xi32, #tpu.memory_space<vmem>>) target_semaphore(%arg12 : memref<!tpu.dma_semaphore, #tpu.memory_space<semaphore_mem>>)
      } else {
      }
    }
    %scan3A_27 = arith.constant 26 : i32
    "tpu.region"() ({
      %run_scoped3A = tpu.sem_alloc : memref<!tpu.dma_semaphore, #tpu.memory_space<semaphore_mem>>
      %dma_start3A_28 = arith.constant 0 : i32
      %dma_start3A_29 = tpu.memref_slice %arg4[%add3A, %dma_start3A_28] : memref<32x16384xf32, #tpu.memory_space<hbm>> -> memref<1x16384xf32, #tpu.memory_space<hbm>>
      %dma_start3A_30 = tpu.memref_squeeze %dma_start3A_29 : memref<1x16384xf32, #tpu.memory_space<hbm>> -> memref<16384xf32, #tpu.memory_space<hbm>>
      %dma_start3A_31 = arith.constant 0 : i32
      %dma_start3A_32 = tpu.memref_slice %arg4[%add3A, %dma_start3A_31] : memref<32x16384xf32, #tpu.memory_space<hbm>> -> memref<1x16384xf32, #tpu.memory_space<hbm>>
      %dma_start3A_33 = tpu.memref_squeeze %dma_start3A_32 : memref<1x16384xf32, #tpu.memory_space<hbm>> -> memref<16384xf32, #tpu.memory_space<hbm>>
      tpu.enqueue_dma source(%arg9 : memref<16384xf32, #tpu.memory_space<vmem>>) target(%dma_start3A_33 : memref<16384xf32, #tpu.memory_space<hbm>>) target_semaphore(%run_scoped3A : memref<!tpu.dma_semaphore, #tpu.memory_space<semaphore_mem>>)
      %dma_wait3A = arith.constant 0 : i32
      %dma_wait3A_34 = tpu.memref_slice %arg4[%add3A, %dma_wait3A] : memref<32x16384xf32, #tpu.memory_space<hbm>> -> memref<1x16384xf32, #tpu.memory_space<hbm>>
      %dma_wait3A_35 = tpu.memref_squeeze %dma_wait3A_34 : memref<1x16384xf32, #tpu.memory_space<hbm>> -> memref<16384xf32, #tpu.memory_space<hbm>>
      %dma_wait3A_36 = arith.constant 0 : i32
      %dma_wait3A_37 = tpu.memref_slice %arg4[%add3A, %dma_wait3A_36] : memref<32x16384xf32, #tpu.memory_space<hbm>> -> memref<1x16384xf32, #tpu.memory_space<hbm>>
      %dma_wait3A_38 = tpu.memref_squeeze %dma_wait3A_37 : memref<1x16384xf32, #tpu.memory_space<hbm>> -> memref<16384xf32, #tpu.memory_space<hbm>>
      tpu.wait_dma2 semaphore(%run_scoped3A : memref<!tpu.dma_semaphore, #tpu.memory_space<semaphore_mem>>) src(%arg9 : memref<16384xf32, #tpu.memory_space<vmem>>) dst(%dma_wait3A_38 : memref<16384xf32, #tpu.memory_space<hbm>>)
      tpu.yield
    }) : () -> ()
    return
  }
}

</mosaic_0001>

<sc_bundles>
// kernel: _run.3.cloned.1.call-start
scs
__scs_entry_jumppad:
0x0: {  	(pc) =	sbr.rel $0x88, $3  }
0x1: {  	(tag) =	ssettag $0x0;
	lr =	simm.s32 $0x1  }
0x2: {  	[smem:$0x3F9F] =	sst lr;
	_ =	strace $0xD0000000  }
0x3: {  	_ = 	snop  }
0x4: {  	_ = 	snop  }
0x5: {  	_ = 	snop  }
0x6: {  	_ = 	snop  }
0x7: {  	_ = 	snop  }
__scs_overlays_trampoline_lowered:
0x8: {  	[smem:$0x3FAE] =	sst s0  }
0x9: {  	[smem:$0x3FAF] =	sst s1  }
0xa: {  	[smem:$0x3FB0] =	sst s2  }
0xb: {  	[smem:$0x3FB1] =	sst s3  }
0xc: {  	[smem:$0x3FB2] =	sst s4  }
0xd: {  	[smem:$0x3FB3] =	sst s5  }
0xe: {  	[smem:$0x3FB4] =	sst s6  }
0xf: {  	[smem:$0x3FB5] =	sst s7  }
0x10: {  	[smem:$0x3FB6] =	sst s8  }
0x11: {  	[smem:$0x3FB7] =	sst s9;
	s0 =	simm.s32 @!p0 $0x0  }
0x12: {  	s1 =	sld [smem:$0x3F9D];
	s0 =	simm.s32 @p0 $0x1  }
0x13: {  	[smem:$0x3FB8] =	sst s0;
	s0 =	simm.s32 @!p1 $0x0  }
0x14: {  	s2 =	sld [smem:$0x3F9C];
	s0 =	simm.s32 @p1 $0x1  }
0x15: {  	[smem:$0x3FB9] =	sst s0;
	s0 =	simm.s32 @!p2 $0x0  }
0x16: {  	s3 =	sld [smem:$0x3FDB];
	s0 =	simm.s32 @p2 $0x1  }
0x17: {  	s4 =	simm.s32 $0x1BF5;
	[smem:$0x3FBB] =	sst s0  }
0x18: {  	s0 =	sld [smem:$0x3F9E];
	_ =	swait.ge [sflag:s4], $0x0  }
0x19: {  	s7 =	sld [smem:$0x3F9F]  }
0x1a: {  	s8 =	sadd.s32 $0xFFFFE003, lr  }
0x1b: {  	s9 =	sadd.s32 $0xFFFFFEF7, lr;
	s5 =	simm.s32 $0xFFFFFFFF;
	p2 =	slt.u32 s8, $0xFFFFF086  }
0x1c: {  	p1 =	slt.u32 s9, $0xF7A;
	s5 =	simm.s32 @!p2 $0x0  }
0x1d: {  	s5 =	simm.s32 @p1 $0x1;
	p0 =	seq.s32 s7, s2  }
0x1e: {  	s7 =	smul.u32 @!p0 $0xF7A, s2;
	p2 =	seq.s32 @!p0 s5, $0x0  }
0x1f: {  	s9 =	smul.u32 $0xF7A, s1;
	s8 =	simm.s32 @!p0 $0x1BF5;
	p2 =	por !p2, p0  }
0x20: {  	[sflag:s8] =	ssyncset.s32 @!p0 $0xFFFFF086;
	s6 =	sadd.s32 @!p0 s3, s7;
	s7 =	simm.s32 @!p0 $0x108  }
0x21: {  	s3 =	sadd.s32 s3, s9;
	s6 =	sadd.s32 @!p0 $0x88, s6;
	s7 =	simm.s32 @p2 $0x1082  }
0x22: {  	[simem:s7], [sflag:s8] =	dma.local @!p0 [hbm:s6], $0xF7A  }
0x23: {  	s9 =	sor.u32 $0xD0000000, s2;
	s6 =	simm.s32 $0x108;
	_ =	swait.ge @!p0 [sflag:s8], $0x0  }
0x24: {  	s3 =	sadd.s32 $0x88, s3;
	s6 =	simm.s32 @!p1 $0x1082;
	[sflag:s4] =	ssyncset.s32 $0xFFFFF086  }
0x25: {  	[simem:s6], [sflag:s4] =	dma.local [hbm:s3], $0xF7A  }
0x26: {  	[smem:$0x3F9F] =	sst s1;
	(tag) =	ssettag s2;
	_ =	strace s9  }
0x27: {  	s1 =	sld [smem:$0x3FAF]  }
0x28: {  	s2 =	sld [smem:$0x3FB0]  }
0x29: {  	s4 =	sld [smem:$0x3FB2]  }
0x2a: {  	p0 =	seq.s32 s5, $0x0;
	s5 =	sld [smem:$0x3FB3]  }
0x2b: {  	s6 =	sld [smem:$0x3FB4]  }
0x2c: {  	s7 =	sld [smem:$0x3FB5]  }
0x2d: {  	s3 =	simm.s32 $0x108;
	s8 =	sld [smem:$0x3FB6]  }
0x2e: {  	s3 =	simm.s32 @!p0 $0x1082;
	s9 =	sld [smem:$0x3FB7]  }
0x2f: {  	lr =	sadd.s32 s0, s3;
	s0 =	sld [smem:$0x3FAE]  }
0x30: {  	s3 =	sld [smem:$0x3FB1]  }
0x31: {  	[smem:$0x3FBA] =	sst s10  }
0x32: {  	s10 =	sld [smem:$0x3FB8];
	_ =	sdelay $0x3  }
0x33: {  	p0 =	seq.s32 s10, $0x1;
	s10 =	sld [smem:$0x3FBA];
	_ =	sdelay $0x3  }
0x34: {  	[smem:$0x3FBA] =	sst s10  }
0x35: {  	s10 =	sld [smem:$0x3FB9];
	_ =	sdelay $0x3  }
0x36: {  	p1 =	seq.s32 s10, $0x1;
	s10 =	sld [smem:$0x3FBA];
	_ =	sdelay $0x3  }
0x37: {  	[smem:$0x3FBA] =	sst s10  }
0x38: {  	s10 =	sld [smem:$0x3FBB]  }
0x39: {  	_ = 	snop;
	(pc) =	sbr.ind lr, $3  }
0x3a: {  	_ = 	snop  }
0x3b: {  	_ = 	snop  }
0x3c: {  	p2 =	seq.s32 s10, $0x1;
	s10 =	sld [smem:$0x3FBA]  }
0x3d: {  	_ =	shalt  }
0x3e: {  	_ =	shalt  }
0x3f: {  	_ =	shalt  }
0x40: {  	_ =	shalt  }
0x41: {  	_ =	shalt  }
0x42: {  	_ =	shalt  }
0x43: {  	_ =	shalt  }
0x44: {  	_ =	shalt  }
0x45: {  	_ =	shalt  }
0x46: {  	_ =	shalt  }
0x47: {  	_ =	shalt  }
0x48: {  	_ =	shalt  }
0x49: {  	_ =	shalt  }
0x4a: {  	_ =	shalt  }
0x4b: {  	_ =	shalt  }
0x4c: {  	_ =	shalt  }
0x4d: {  	_ =	shalt  }
0x4e: {  	_ =	shalt  }
0x4f: {  	_ =	shalt  }
0x50: {  	_ =	shalt  }
0x51: {  	_ =	shalt  }
0x52: {  	_ =	shalt  }
0x53: {  	_ =	shalt  }
0x54: {  	_ =	shalt  }
0x55: {  	_ =	shalt  }
0x56: {  	_ =	shalt  }
0x57: {  	_ =	shalt  }
0x58: {  	_ =	shalt  }
0x59: {  	_ =	shalt  }
0x5a: {  	_ =	shalt  }
0x5b: {  	_ =	shalt  }
0x5c: {  	_ =	shalt  }
0x5d: {  	_ =	shalt  }
0x5e: {  	_ =	shalt  }
0x5f: {  	_ =	shalt  }
0x60: {  	_ =	shalt  }
0x61: {  	_ =	shalt  }
0x62: {  	_ =	shalt  }
0x63: {  	_ =	shalt  }
0x64: {  	_ =	shalt  }
0x65: {  	_ =	shalt  }
0x66: {  	_ =	shalt  }
0x67: {  	_ =	shalt  }
0x68: {  	_ =	shalt  }
0x69: {  	_ =	shalt  }
0x6a: {  	_ =	shalt  }
0x6b: {  	_ =	shalt  }
0x6c: {  	_ =	shalt  }
0x6d: {  	_ =	shalt  }
0x6e: {  	_ =	shalt  }
0x6f: {  	_ =	shalt  }
0x70: {  	_ =	shalt  }
0x71: {  	_ =	shalt  }
0x72: {  	_ =	shalt  }
0x73: {  	_ =	shalt  }
0x74: {  	_ =	shalt  }
0x75: {  	_ =	shalt  }
0x76: {  	_ =	shalt  }
0x77: {  	_ =	shalt  }
0x78: {  	_ =	shalt  }
0x79: {  	_ =	shalt  }
0x7a: {  	_ =	shalt  }
0x7b: {  	_ =	shalt  }
0x7c: {  	_ =	shalt  }
0x7d: {  	_ =	shalt  }
0x7e: {  	_ =	shalt  }
0x7f: {  	_ =	shalt  }
0x80: {  	_ =	shalt  }
0x81: {  	_ =	shalt  }
0x82: {  	_ =	shalt  }
0x83: {  	_ =	shalt  }
0x84: {  	_ =	shalt  }
0x85: {  	_ =	shalt  }
0x86: {  	_ =	shalt  }
0x87: {  	_ =	shalt  }
.Lfunc_end0:
.L_simem_size_0:
called_computation_lowered:
.L_overlay_start_0:
0x88: {  	s2 =	sld [smem:$0x3FD9]  }
0x89: {  	s3 =	sld [smem:$0x3FFE];
	_ =	sdelay $0x1  }
0x8a: {  	s1 =	srdreg.scid  }
0x8b: {  	s0 =	sand.u32 $0x1, s1  }
0x8c: {  	s18 =	sshll.u32 s0, $0xA;
	s2 =	sadd.s32 s3, s2  }
0x8d: {  	s2 =	sadd.s32 s2, s18  }
0x8e: {  	[smem:$0x3FC6] =	sst s2  }
0x8f: {  	_ = 	snop  }
0x90: {  	s2 =	sld [smem:$0x3FC9]  }
0x91: {  	s19 =	sld [smem:$0x3FC8]  }
0x92: {  	s4 =	sld [smem:$0x3FD0];
	(tm) =	ssettm $0x1  }
0x93: {  	s5 =	sld [smem:$0x3FFB];
	_ =	sdelay $0x3  }
0x94: {  	_ =	strace s5  }
0x95: {  	s5 =	sld [smem:$0x3FFC];
	_ =	sdelay $0x3  }
0x96: {  	_ =	strace s5  }
0x97: {  	s5 =	sld [smem:$0x3FFD];
	_ =	sdelay $0x3  }
0x98: {  	_ =	strace s5  }
0x99: {  	_ =	strace $0x8FFFFFFF  }
0x9a: {  	s20 =	sld [smem:$0x3FDB];
	_ =	sdelay $0x1  }
0x9b: {  	s6 =	simm.s32 $_scs_section_size  }
0x9c: {  	s7 =	simm.s32 $_size__tile_overlayer_lowered;
	s8 =	simm.s32 $_tile_overlayer_lowered  }
0x9d: {  	s23 =	simm.s32 $0x1BFF;
	s22 =	sshll.u32 s8, $0x1;
	s5 =	sadd.s32 s6, s20  }
0x9e: {  	s9 =	simm.s32 $0x0;
	s21 =	sshll.u32 s7, $0x1;
	s7 =	sadd.s32 s22, s5  }
0x9f: {  	[timem:s9], [sflag:s23] =	dma.local [hbm:s7], s21  }
0xa0: {  	_ =	swait.ge [sflag:s23], s21  }
0xa1: {  	s6 =	ssub.s32 $0x0, s21;
	[sflag:s23] =	ssyncset.done $0x0  }
0xa2: {  	[sflag:s23] =	ssyncadd.s32 s6;
	_ =	sdelay $0x1  }
0xa3: {  	s24 =	simm.s32 $0x1B8B  }
0xa4: {  	_ =	swait.ge [sflag:s24], $0x1  }
0xa5: {  	[sflag:s24] =	ssyncset.done $0x0  }
0xa6: {  	s25 =	simm.s32 $0x1B8E;
	[sflag:s24] =	ssyncadd.s32 $0xFFFFFFFF  }
0xa7: {  	s26 =	simm.s32 $execute0_lowered;
	[smem:$0x3FD2] =	sst s25  }
0xa8: {  	s6 =	sshll.u32 s26, $0x1;
	_ =	strace $0x80000046;
	[dreg:$0x1] =	wrdreg $0xFFFFFFFF  }
0xa9: {  	s28 =	simm.s32 $_size_execute0_lowered;
	s5 =	sadd.s32 s5, s6;
	[dreg:$0x0] =	wrdreg $0x0  }
0xaa: {  	s6 =	sshll.u32 s28, $0x1;
	[dreg:$0x2] =	wrdreg s5  }
0xab: {  	[dreg:$0x3] =	wrdreg s6  }
0xac: {  	[dreg:$0x4] =	wrdreg $0xC0  }
0xad: {  	_ =	task [dreg:s9], $0x5FFFF  }
0xae: {  	[dreg:$0x1] =	wrdreg $0xFFFFFFFF  }
0xaf: {  	[dreg:$0x0] =	wrdreg $0x60  }
0xb0: {  	[dreg:$0x2] =	wrdreg s2  }
0xb1: {  	[dreg:$0x3] =	wrdreg s19  }
0xb2: {  	[dreg:$0x4] =	wrdreg s4  }
0xb3: {  	[dreg:$0x5] =	wrdreg $0x9  }
0xb4: {  	_ =	task.clear_ibuf [dreg:s9], $0x6FFFF;
	_ =	strace $0x90000046  }
0xb5: {  	s29 =	simm.s32 $0x9;
	_ =	strace $0x80000048  }
0xb6: {  	_ =	swait.ge [sflag:s29], $0x1  }
0xb7: {  	[sflag:s29] =	ssyncadd.s32 $0xFFFFFFFF  }
0xb8: {  	_ =	strace $0x90000048  }
0xb9: {  	_ =	sfence  }
0xba: {  	s30 =	sld [smem:$0x0];
	_ =	sdelay $0x2  }
0xbb: {  	s31 =	sshll.u32 s1, $0xD;
	s1 =	sshrl.u32 s1, $0x2  }
0xbc: {  	s3 =	sand.u32 $0x4000, s31;
	s1 =	sadd.s32 s1, s30  }
0xbd: {  	s0 =	sor.u32 s3, s0;
	s1 =	sshll.u32 s1, $0x11  }
0xbe: {  	s0 =	sor.u32 s1, s0  }
0xbf: {  	s0 =	sadd.s32 $0x8F2B, s0  }
0xc0: {  	[sflag:s0] =	ssyncadd.remote.s32 $0x1  }
0xc1: {  	_ =	sfence.sel $0xFFFF  }
0xc2: {  	[dreg:$0x0] =	wrdreg $0xFFFFFFFF;
	(pc) =	sbr.abs _section_cstart, $3  }
0xc3: {  	[dreg:$0x1] =	wrdreg $0xFFFFFFFF  }
0xc4: {  	_ =	task.clear_ibuf [dreg:s9], $0x2FFFF;
	_ =	strace $0x9FFFFFFF  }
0xc5: {  	(tm) =	ssettm $0x7FFFFFFF  }
tec
execute0_lowered:
.L_overlay_start_1:
0x0: {  	(tag) =	ssettag $0x1  }
0x1: {  	s1 =	rddreg [dreg:$0x0]  }
0x2: {  	s2 =	rddreg [dreg:$0x1]  }
0x3: {  	s0 =	rddreg [dreg:$0x2];
	s4 =	simm.s32 $0x0  }
0x4: {  	s3 =	srdreg.scid;
	s5 =	stileid.u32;
	s14 =	simm.s32 $0x80  }
0x5: {  	s15 =	simm.s32 $0x400;
	s16 =	simm.s32 $0xC380;
	s17 =	simm.s32 $0x100  }
0x6: {  	s18 =	simm.s32 $0x18700;
	s19 =	simm.s32 $0x1;
	s20 =	simm.s32 $0x19700  }
0x7: {  	s21 =	simm.s32 $0x3;
	s22 =	simm.s32 $0x4;
	s23 =	simm.s32 $0x2  }
0x8: {  	s25 =	simm.s32 $0x5;
	s26 =	simm.s32 $0x0;
	s3 =	sand.u32 $0x1, s3  }
0x9: {  	s7 =	sshrl.u32 s5, $0x2;
	s5 =	sshll.u32 s5, $0x8;
	[smem:$0x7FF] =	sst s4  }
0xa: {  	s10 =	sadd.s32 $0x40, s2;
	s11 =	sadd.s32 $0x60, s2;
	s6 =	smul.u32 $0xC3800, s7  }
0xb: {  	s8 =	sshll.u32 s3, $0x7;
	s5 =	sand.u32 $0x300, s5;
	s3 =	ssub.s32 $0x2, s3  }
0xc: {  	_ =	strace $0x80000047;
	s8 =	sor.u32 s8, s5;
	s9 =	sshrl.u32 s3, $0x1  }
0xd: {  	s7 =	sshll.u32 s7, $0x11;
	s5 =	sor.u32 s6, s8;
	s3 =	ssub.s32 s3, s9  }
0xe: {  	s7 =	sor.u32 s7, s8;
	s30 =	sshrl.u32 s5, $0x3;
	s6 =	sadd.s32 $0x61C00, s5  }
0xf: {  	s7 =	sshrl.u32 s7, $0x3;
	s9 =	sadd.s32 s1, s30;
	s31 =	sshrl.u32 s6, $0x3  }
0x10: {  	s13 =	smax.u32 s3, $0x1;
	[dreg:$0x4] =	wrdreg s9;
	s9 =	sadd.s32 s1, s31  }
0x11: {  	v0 =	vimm.f32 $0.0e+00;
	s12 =	sadd.s32 s0, s7;
	[dreg:$0x5] =	wrdreg s9;
	s9 =	sadd.s32 $0x20, s2  }
.LBB2_1:
0x12: {  	s0 =	simm.s32 $0x1A740  }
0x13: {  	[tilespmem:s0+$0xFFFFFFC0] =	vst v0  }
0x14: {  	[tilespmem:s0+$0x30] =	vst v0  }
0x15: {  	[tilespmem:s0+$0x20] =	vst v0  }
0x16: {  	[tilespmem:s0+$0x10] =	vst v0  }
0x17: {  	[tilespmem:s0+$0x0] =	vst v0  }
0x18: {  	[tilespmem:s0+$0xFFFFFFF0] =	vst v0  }
0x19: {  	s3 =	simm.s32 $0x0;
	[tilespmem:s0+$0xFFFFFFE0] =	vst v0  }
.LBB2_2:
0x1a: {  	s3 =	sadd.s32 $0x80, s3;
	[tilespmem:s0+$0xFFFFFFD0] =	vst v0;
	s0 =	sadd.s32 $0x80, s0  }
0x1b: {  	[tilespmem:s0+$0xFFFFFFC0] =	vst v0;
	p0 =	slt.u32 s3, $0x3F80  }
0x1c: {  	[tilespmem:s0+$0x30] =	vst v0  }
.Ltmp0:
0x1d: {  	[tilespmem:s0+$0x20] =	vst v0;
	(pc) =	sbr.rel @p0 .LBB2_2-.Ltmp0, $4  }
0x1e: {  	[tilespmem:s0+$0x10] =	vst v0  }
0x1f: {  	[tilespmem:s0+$0x0] =	vst v0  }
0x20: {  	[tilespmem:s0+$0xFFFFFFF0] =	vst v0  }
0x21: {  	[tilespmem:s0+$0xFFFFFFE0] =	vst v0  }
0x22: {  	[tilespmem:s0+$0xFFFFFFD0] =	vst v0  }
0x23: {  	s31 =	simm.s32 $0x0;
	s0 =	rddreg [dreg:$0x4]  }
0x24: {  	[tilespmem:s31], [sflag:$0x1] =	stream.strided.gather [hbm4b:s0+s14], $0xC380, s15, s14, $0x38;
	[tilespmem:$0x1E700] =	vst v63  }
0x25: {  	s30 =	rddreg [dreg:$0x5]  }
0x26: {  	[tilespmem:s16], [sflag:$0x2] =	stream.strided.gather [hbm4b:s30+s14], $0xC380, s15, s14, $0x38;
	[tilespmem:$0x1E700] =	vst v63  }
0x27: {  	_ = 	snop  }
0x28: {  	[tilespmem:s18], [sflag:$0x3] =	stream.strided.gather [hbm4b:s2+s17], $0x1000, s15, s17, $0x38;
	[tilespmem:$0x1E700] =	vst v63  }
.LBB2_4:
0x29: {  	_ =	swait.ge [sflag:s19], $0xC380  }
0x2a: {  	s29 =	sshll.u32 s31, $0xB;
	[sflag:s19] =	ssyncset.done $0x0  }
0x2b: {  	s28 =	sadd.s32 s29, s9;
	[sflag:s19] =	ssyncadd.s32 $0xFFFF3C80  }
0x2c: {  	[tilespmem:s20], [sflag:$0x4] =	stream.strided.gather [hbm4b:s28+s17], $0x1000, s15, s17, $0x38;
	[tilespmem:$0x1E700] =	vst v63  }
0x2d: {  	_ =	swait.ge [sflag:s21], $0x1000  }
0x2e: {  	[sflag:s21] =	ssyncset.done $0x0  }
0x2f: {  	s0 =	simm.s32 $0x18740;
	[sflag:s21] =	ssyncadd.s32 $0xFFFFF000  }
0x30: {  	v1 =	vld [tilespmem:s0+$0x30]  }
0x31: {  	v2 =	vld [tilespmem:s0+$0xFFFFFFD0]  }
0x32: {  	v3 =	vld [tilespmem:s0+$0xFFFFFFE0]  }
0x33: {  	v4 =	vld [tilespmem:s0+$0xFFFFFFF0]  }
0x34: {  	v5 =	vld [tilespmem:s0+$0x0]  }
0x35: {  	v6 =	vld [tilespmem:s0+$0x10];
	vm1 =	vlt.s32 v1, $0xC380  }
0x36: {  	v7 =	vld [tilespmem:s0+$0x20];
	vm2 =	vlt.s32 v2, $0xC380  }
0x37: {  	v8 =	vld [tilespmem:s0+$0xFFFFFFC0];
	vm3 =	vlt.s32 v3, $0xC380  }
0x38: {  	vm4 =	vlt.s32 v4, $0xC380  }
0x39: {  	vm5 =	vlt.s32 v5, $0xC380  }
0x3a: {  	vm6 =	vlt.s32 v6, $0xC380  }
0x3b: {  	vm7 =	vlt.s32 v7, $0xC380;
	v1 =	vld.idx.msk [tilespmem:v1+s4+$0x0], vm1  }
0x3c: {  	vm0 =	vlt.s32 v8, $0xC380;
	v2 =	vld.idx.msk [tilespmem:v2+s4+$0x0], vm2  }
0x3d: {  	v9 =	vld.idx.msk [tilespmem:v3+s4+$0x0], vm3  }
0x3e: {  	v4 =	vld.idx.msk [tilespmem:v4+s4+$0x0], vm4  }
0x3f: {  	v5 =	vld.idx.msk [tilespmem:v5+s4+$0x0], vm5  }
0x40: {  	v6 =	vld.idx.msk [tilespmem:v6+s4+$0x0], vm6  }
0x41: {  	v7 =	vld.idx.msk [tilespmem:v7+s4+$0x0], vm7  }
0x42: {  	s3 =	simm.s32 $0x1A770;
	v3 =	vld.idx.msk [tilespmem:v8+s4+$0x0], vm0;
	v1 =	vnsel vm1, $0x0, v1  }
0x43: {  	[tilespmem:s3+$0x0] =	vst.add.f32.msk $0xffff, v1;
	v1 =	vnsel vm2, $0x0, v2  }
0x44: {  	v2 =	vnsel vm3, $0x0, v9;
	[tilespmem:s3+$0xFFFFFFA0] =	vst.add.f32.msk $0xffff, v1  }
0x45: {  	v1 =	vnsel vm4, $0x0, v4;
	[tilespmem:s3+$0xFFFFFFB0] =	vst.add.f32.msk $0xffff, v2  }
0x46: {  	s7 =	simm.s32 $0x0;
	v2 =	vnsel vm5, $0x0, v5;
	[tilespmem:s3+$0xFFFFFFC0] =	vst.add.f32.msk $0xffff, v1  }
0x47: {  	s30 =	simm.s32 $0x187F0;
	s24 =	simm.s32 $0x18840;
	s0 =	simm.s32 $0x1AF70;
	v1 =	vnsel vm6, $0x0, v6;
	[tilespmem:s3+$0xFFFFFFD0] =	vst.add.f32.msk $0xffff, v2;
	v2 =	vnsel vm7, $0x0, v7  }
.LBB2_5:
0x48: {  	v4 =	vld [tilespmem:s24+$0x30];
	s7 =	sadd.s32 $0x80, s7  }
0x49: {  	v3 =	vnsel vm0, $0x0, v3;
	v5 =	vld [tilespmem:s24+$0xFFFFFFD0];
	p0 =	slt.u32 s7, $0x780  }
0x4a: {  	v6 =	vld [tilespmem:s24+$0xFFFFFFE0]  }
0x4b: {  	v7 =	vld [tilespmem:s24+$0xFFFFFFF0]  }
0x4c: {  	v8 =	vld [tilespmem:s24+$0x0]  }
0x4d: {  	v9 =	vld [tilespmem:s24+$0x10];
	vm7 =	vlt.s32 v4, $0xC380  }
0x4e: {  	vm5 =	vlt.s32 v5, $0xC380;
	v10 =	vld [tilespmem:s24+$0x20]  }
0x4f: {  	v11 =	vld [tilespmem:s24+$0xFFFFFFC0];
	vm6 =	vlt.s32 v6, $0xC380  }
0x50: {  	vm1 =	vlt.s32 v7, $0xC380;
	[tilespmem:s3+$0xFFFFFF90] =	vst.add.f32.msk $0xffff, v3  }
0x51: {  	vm2 =	vlt.s32 v8, $0xC380;
	[tilespmem:s3+$0xFFFFFFE0] =	vst.add.f32.msk $0xffff, v1  }
0x52: {  	vm3 =	vlt.s32 v9, $0xC380;
	[tilespmem:s3+$0xFFFFFFF0] =	vst.add.f32.msk $0xffff, v2  }
0x53: {  	vm4 =	vlt.s32 v10, $0xC380;
	v1 =	vld.idx.msk [tilespmem:v4+s4+$0x0], vm7  }
0x54: {  	vm0 =	vlt.s32 v11, $0xC380;
	v2 =	vld.idx.msk [tilespmem:v5+s4+$0x0], vm5  }
0x55: {  	v4 =	vld.idx.msk [tilespmem:v6+s4+$0x0], vm6  }
0x56: {  	v5 =	vld.idx.msk [tilespmem:v7+s4+$0x0], vm1  }
0x57: {  	v6 =	vld.idx.msk [tilespmem:v8+s4+$0x0], vm2  }
0x58: {  	v7 =	vld.idx.msk [tilespmem:v9+s4+$0x0], vm3  }
0x59: {  	s3 =	sadd.s32 $0x80, s3;
	v1 =	vnsel vm7, $0x0, v1;
	v8 =	vld.idx.msk [tilespmem:v10+s4+$0x0], vm4  }
0x5a: {  	v2 =	vnsel vm5, $0x0, v2;
	[tilespmem:s3+$0x0] =	vst.add.f32.msk $0xffff, v1  }
.Ltmp1:
0x5b: {  	v1 =	vnsel vm6, $0x0, v4;
	v3 =	vld.idx.msk [tilespmem:v11+s4+$0x0], vm0;
	(pc) =	sbr.rel @p0 .LBB2_5-.Ltmp1, $4  }
0x5c: {  	[tilespmem:s3+$0xFFFFFFA0] =	vst.add.f32.msk $0xffff, v2;
	v2 =	vnsel vm1, $0x0, v5  }
0x5d: {  	v4 =	vnsel vm2, $0x0, v6;
	[tilespmem:s3+$0xFFFFFFB0] =	vst.add.f32.msk $0xffff, v1  }
0x5e: {  	v1 =	vnsel vm3, $0x0, v7;
	[tilespmem:s3+$0xFFFFFFC0] =	vst.add.f32.msk $0xffff, v2  }
0x5f: {  	s24 =	sadd.s32 $0x100, s24;
	v2 =	vnsel vm4, $0x0, v8;
	[tilespmem:s3+$0xFFFFFFD0] =	vst.add.f32.msk $0xffff, v4  }
0x60: {  	[tilespmem:s3+$0xFFFFFFE0] =	vst.add.f32.msk $0xffff, v1  }
0x61: {  	v3 =	vnsel vm0, $0x0, v3;
	[tilespmem:s3+$0xFFFFFFF0] =	vst.add.f32.msk $0xffff, v2  }
0x62: {  	[tilespmem:s3+$0xFFFFFF90] =	vst.add.f32.msk $0xffff, v3  }
0x63: {  	v1 =	vld [tilespmem:s30+$0x0]  }
0x64: {  	v2 =	vld [tilespmem:s30+$0xFFFFFFA0]  }
0x65: {  	v3 =	vld [tilespmem:s30+$0xFFFFFFB0]  }
0x66: {  	v4 =	vld [tilespmem:s30+$0xFFFFFFC0]  }
0x67: {  	v5 =	vld [tilespmem:s30+$0xFFFFFFD0]  }
0x68: {  	v6 =	vld [tilespmem:s30+$0xFFFFFFE0];
	vm1 =	vlt.s32 v1, $0xC380  }
0x69: {  	v7 =	vld [tilespmem:s30+$0xFFFFFFF0];
	vm2 =	vlt.s32 v2, $0xC380  }
0x6a: {  	v8 =	vld [tilespmem:s30+$0xFFFFFF90];
	vm3 =	vlt.s32 v3, $0xC380  }
0x6b: {  	vm4 =	vlt.s32 v4, $0xC380  }
0x6c: {  	vm5 =	vlt.s32 v5, $0xC380  }
0x6d: {  	vm6 =	vlt.s32 v6, $0xC380  }
0x6e: {  	vm7 =	vlt.s32 v7, $0xC380;
	v1 =	vld.idx.msk [tilespmem:v1+s4+$0x0], vm1  }
0x6f: {  	vm0 =	vlt.s32 v8, $0xC380;
	v2 =	vld.idx.msk [tilespmem:v2+s4+$0x0], vm2  }
0x70: {  	v9 =	vld.idx.msk [tilespmem:v3+s4+$0x0], vm3  }
0x71: {  	v4 =	vld.idx.msk [tilespmem:v4+s4+$0x0], vm4  }
0x72: {  	v5 =	vld.idx.msk [tilespmem:v5+s4+$0x0], vm5  }
0x73: {  	v6 =	vld.idx.msk [tilespmem:v6+s4+$0x0], vm6  }
0x74: {  	v7 =	vld.idx.msk [tilespmem:v7+s4+$0x0], vm7  }
0x75: {  	v3 =	vld.idx.msk [tilespmem:v8+s4+$0x0], vm0;
	v1 =	vnsel vm1, $0x0, v1  }
0x76: {  	[tilespmem:s0+$0x0] =	vst.add.f32.msk $0xffff, v1;
	v1 =	vnsel vm2, $0x0, v2  }
0x77: {  	v2 =	vnsel vm3, $0x0, v9;
	[tilespmem:s0+$0xFFFFFFA0] =	vst.add.f32.msk $0xffff, v1  }
0x78: {  	v1 =	vnsel vm4, $0x0, v4;
	[tilespmem:s0+$0xFFFFFFB0] =	vst.add.f32.msk $0xffff, v2  }
0x79: {  	v2 =	vnsel vm5, $0x0, v5;
	[tilespmem:s0+$0xFFFFFFC0] =	vst.add.f32.msk $0xffff, v1  }
0x7a: {  	s7 =	simm.s32 $0x188F0;
	s3 =	simm.s32 $0x0;
	v1 =	vnsel vm6, $0x0, v6;
	[tilespmem:s0+$0xFFFFFFD0] =	vst.add.f32.msk $0xffff, v2;
	v2 =	vnsel vm7, $0x0, v7  }
.LBB2_7:
0x7b: {  	v4 =	vld [tilespmem:s7+$0x0];
	s3 =	sadd.s32 $0x80, s3  }
0x7c: {  	v3 =	vnsel vm0, $0x0, v3;
	v5 =	vld [tilespmem:s7+$0xFFFFFFA0];
	p0 =	slt.u32 s3, $0x780  }
0x7d: {  	v6 =	vld [tilespmem:s7+$0xFFFFFFB0]  }
0x7e: {  	v7 =	vld [tilespmem:s7+$0xFFFFFFC0]  }
0x7f: {  	v8 =	vld [tilespmem:s7+$0xFFFFFFD0]  }
0x80: {  	v9 =	vld [tilespmem:s7+$0xFFFFFFE0];
	vm7 =	vlt.s32 v4, $0xC380  }
0x81: {  	vm5 =	vlt.s32 v5, $0xC380;
	v10 =	vld [tilespmem:s7+$0xFFFFFFF0]  }
0x82: {  	v11 =	vld [tilespmem:s7+$0xFFFFFF90];
	vm6 =	vlt.s32 v6, $0xC380  }
0x83: {  	vm1 =	vlt.s32 v7, $0xC380;
	[tilespmem:s0+$0xFFFFFF90] =	vst.add.f32.msk $0xffff, v3  }
0x84: {  	vm2 =	vlt.s32 v8, $0xC380;
	[tilespmem:s0+$0xFFFFFFE0] =	vst.add.f32.msk $0xffff, v1  }
0x85: {  	vm3 =	vlt.s32 v9, $0xC380;
	[tilespmem:s0+$0xFFFFFFF0] =	vst.add.f32.msk $0xffff, v2  }
0x86: {  	vm4 =	vlt.s32 v10, $0xC380;
	v1 =	vld.idx.msk [tilespmem:v4+s4+$0x0], vm7  }
0x87: {  	vm0 =	vlt.s32 v11, $0xC380;
	v2 =	vld.idx.msk [tilespmem:v5+s4+$0x0], vm5  }
0x88: {  	v4 =	vld.idx.msk [tilespmem:v6+s4+$0x0], vm6  }
0x89: {  	v5 =	vld.idx.msk [tilespmem:v7+s4+$0x0], vm1  }
0x8a: {  	v6 =	vld.idx.msk [tilespmem:v8+s4+$0x0], vm2  }
0x8b: {  	v7 =	vld.idx.msk [tilespmem:v9+s4+$0x0], vm3  }
0x8c: {  	s0 =	sadd.s32 $0x80, s0;
	v1 =	vnsel vm7, $0x0, v1;
	v8 =	vld.idx.msk [tilespmem:v10+s4+$0x0], vm4  }
0x8d: {  	v2 =	vnsel vm5, $0x0, v2;
	[tilespmem:s0+$0x0] =	vst.add.f32.msk $0xffff, v1  }
.Ltmp2:
0x8e: {  	v1 =	vnsel vm6, $0x0, v4;
	v3 =	vld.idx.msk [tilespmem:v11+s4+$0x0], vm0;
	(pc) =	sbr.rel @p0 .LBB2_7-.Ltmp2, $4  }
0x8f: {  	[tilespmem:s0+$0xFFFFFFA0] =	vst.add.f32.msk $0xffff, v2;
	v2 =	vnsel vm1, $0x0, v5  }
0x90: {  	v4 =	vnsel vm2, $0x0, v6;
	[tilespmem:s0+$0xFFFFFFB0] =	vst.add.f32.msk $0xffff, v1  }
0x91: {  	v1 =	vnsel vm3, $0x0, v7;
	[tilespmem:s0+$0xFFFFFFC0] =	vst.add.f32.msk $0xffff, v2  }
0x92: {  	s7 =	sadd.s32 $0x100, s7;
	v2 =	vnsel vm4, $0x0, v8;
	[tilespmem:s0+$0xFFFFFFD0] =	vst.add.f32.msk $0xffff, v4  }
0x93: {  	[tilespmem:s0+$0xFFFFFFE0] =	vst.add.f32.msk $0xffff, v1  }
0x94: {  	v3 =	vnsel vm0, $0x0, v3;
	[tilespmem:s0+$0xFFFFFFF0] =	vst.add.f32.msk $0xffff, v2  }
0x95: {  	s8 =	sadd.s32 s29, s10;
	[tilespmem:s0+$0xFFFFFF90] =	vst.add.f32.msk $0xffff, v3  }
0x96: {  	[tilespmem:s18], [sflag:$0x3] =	stream.strided.gather [hbm4b:s8+s17], $0x1000, s15, s17, $0x38;
	[tilespmem:$0x1E700] =	vst v63  }
0x97: {  	_ =	swait.ge [sflag:s22], $0x1000  }
0x98: {  	[sflag:s22] =	ssyncset.done $0x0  }
0x99: {  	s24 =	simm.s32 $0x19740;
	[sflag:s22] =	ssyncadd.s32 $0xFFFFF000  }
0x9a: {  	v1 =	vld [tilespmem:s24+$0x30]  }
0x9b: {  	v2 =	vld [tilespmem:s24+$0xFFFFFFD0]  }
0x9c: {  	v3 =	vld [tilespmem:s24+$0xFFFFFFE0]  }
0x9d: {  	v4 =	vld [tilespmem:s24+$0xFFFFFFF0]  }
0x9e: {  	v5 =	vld [tilespmem:s24+$0x0]  }
0x9f: {  	v6 =	vld [tilespmem:s24+$0x10];
	vm1 =	vlt.s32 v1, $0xC380  }
0xa0: {  	v7 =	vld [tilespmem:s24+$0x20];
	vm2 =	vlt.s32 v2, $0xC380  }
0xa1: {  	v8 =	vld [tilespmem:s24+$0xFFFFFFC0];
	vm3 =	vlt.s32 v3, $0xC380  }
0xa2: {  	vm4 =	vlt.s32 v4, $0xC380  }
0xa3: {  	vm5 =	vlt.s32 v5, $0xC380  }
0xa4: {  	vm6 =	vlt.s32 v6, $0xC380  }
0xa5: {  	vm7 =	vlt.s32 v7, $0xC380;
	v1 =	vld.idx.msk [tilespmem:v1+s4+$0x0], vm1  }
0xa6: {  	vm0 =	vlt.s32 v8, $0xC380;
	v2 =	vld.idx.msk [tilespmem:v2+s4+$0x0], vm2  }
0xa7: {  	v9 =	vld.idx.msk [tilespmem:v3+s4+$0x0], vm3  }
0xa8: {  	v4 =	vld.idx.msk [tilespmem:v4+s4+$0x0], vm4  }
0xa9: {  	v5 =	vld.idx.msk [tilespmem:v5+s4+$0x0], vm5  }
0xaa: {  	v6 =	vld.idx.msk [tilespmem:v6+s4+$0x0], vm6  }
0xab: {  	v7 =	vld.idx.msk [tilespmem:v7+s4+$0x0], vm7  }
0xac: {  	s3 =	simm.s32 $0x1B770;
	v3 =	vld.idx.msk [tilespmem:v8+s4+$0x0], vm0;
	v1 =	vnsel vm1, $0x0, v1  }
0xad: {  	[tilespmem:s3+$0x0] =	vst.add.f32.msk $0xffff, v1;
	v1 =	vnsel vm2, $0x0, v2  }
0xae: {  	v2 =	vnsel vm3, $0x0, v9;
	[tilespmem:s3+$0xFFFFFFA0] =	vst.add.f32.msk $0xffff, v1  }
0xaf: {  	v1 =	vnsel vm4, $0x0, v4;
	[tilespmem:s3+$0xFFFFFFB0] =	vst.add.f32.msk $0xffff, v2  }
0xb0: {  	s7 =	simm.s32 $0x0;
	v2 =	vnsel vm5, $0x0, v5;
	[tilespmem:s3+$0xFFFFFFC0] =	vst.add.f32.msk $0xffff, v1  }
0xb1: {  	s30 =	simm.s32 $0x197F0;
	s0 =	simm.s32 $0x1BF70;
	s24 =	simm.s32 $0x19840;
	v1 =	vnsel vm6, $0x0, v6;
	[tilespmem:s3+$0xFFFFFFD0] =	vst.add.f32.msk $0xffff, v2;
	v2 =	vnsel vm7, $0x0, v7  }
.LBB2_9:
0xb2: {  	v4 =	vld [tilespmem:s24+$0x30];
	s7 =	sadd.s32 $0x80, s7  }
0xb3: {  	v3 =	vnsel vm0, $0x0, v3;
	v5 =	vld [tilespmem:s24+$0xFFFFFFD0];
	p0 =	slt.u32 s7, $0x780  }
0xb4: {  	v6 =	vld [tilespmem:s24+$0xFFFFFFE0]  }
0xb5: {  	v7 =	vld [tilespmem:s24+$0xFFFFFFF0]  }
0xb6: {  	v8 =	vld [tilespmem:s24+$0x0]  }
0xb7: {  	v9 =	vld [tilespmem:s24+$0x10];
	vm7 =	vlt.s32 v4, $0xC380  }
0xb8: {  	vm5 =	vlt.s32 v5, $0xC380;
	v10 =	vld [tilespmem:s24+$0x20]  }
0xb9: {  	v11 =	vld [tilespmem:s24+$0xFFFFFFC0];
	vm6 =	vlt.s32 v6, $0xC380  }
0xba: {  	vm1 =	vlt.s32 v7, $0xC380;
	[tilespmem:s3+$0xFFFFFF90] =	vst.add.f32.msk $0xffff, v3  }
0xbb: {  	vm2 =	vlt.s32 v8, $0xC380;
	[tilespmem:s3+$0xFFFFFFE0] =	vst.add.f32.msk $0xffff, v1  }
0xbc: {  	vm3 =	vlt.s32 v9, $0xC380;
	[tilespmem:s3+$0xFFFFFFF0] =	vst.add.f32.msk $0xffff, v2  }
0xbd: {  	vm4 =	vlt.s32 v10, $0xC380;
	v1 =	vld.idx.msk [tilespmem:v4+s4+$0x0], vm7  }
0xbe: {  	vm0 =	vlt.s32 v11, $0xC380;
	v2 =	vld.idx.msk [tilespmem:v5+s4+$0x0], vm5  }
0xbf: {  	v4 =	vld.idx.msk [tilespmem:v6+s4+$0x0], vm6  }
0xc0: {  	v5 =	vld.idx.msk [tilespmem:v7+s4+$0x0], vm1  }
0xc1: {  	v6 =	vld.idx.msk [tilespmem:v8+s4+$0x0], vm2  }
0xc2: {  	v7 =	vld.idx.msk [tilespmem:v9+s4+$0x0], vm3  }
0xc3: {  	s3 =	sadd.s32 $0x80, s3;
	v1 =	vnsel vm7, $0x0, v1;
	v8 =	vld.idx.msk [tilespmem:v10+s4+$0x0], vm4  }
0xc4: {  	v2 =	vnsel vm5, $0x0, v2;
	[tilespmem:s3+$0x0] =	vst.add.f32.msk $0xffff, v1  }
.Ltmp3:
0xc5: {  	v1 =	vnsel vm6, $0x0, v4;
	v3 =	vld.idx.msk [tilespmem:v11+s4+$0x0], vm0;
	(pc) =	sbr.rel @p0 .LBB2_9-.Ltmp3, $4  }
0xc6: {  	[tilespmem:s3+$0xFFFFFFA0] =	vst.add.f32.msk $0xffff, v2;
	v2 =	vnsel vm1, $0x0, v5  }
0xc7: {  	v4 =	vnsel vm2, $0x0, v6;
	[tilespmem:s3+$0xFFFFFFB0] =	vst.add.f32.msk $0xffff, v1  }
0xc8: {  	v1 =	vnsel vm3, $0x0, v7;
	[tilespmem:s3+$0xFFFFFFC0] =	vst.add.f32.msk $0xffff, v2  }
0xc9: {  	s24 =	sadd.s32 $0x100, s24;
	v2 =	vnsel vm4, $0x0, v8;
	[tilespmem:s3+$0xFFFFFFD0] =	vst.add.f32.msk $0xffff, v4  }
0xca: {  	[tilespmem:s3+$0xFFFFFFE0] =	vst.add.f32.msk $0xffff, v1  }
0xcb: {  	v3 =	vnsel vm0, $0x0, v3;
	[tilespmem:s3+$0xFFFFFFF0] =	vst.add.f32.msk $0xffff, v2  }
0xcc: {  	[tilespmem:s3+$0xFFFFFF90] =	vst.add.f32.msk $0xffff, v3  }
0xcd: {  	v1 =	vld [tilespmem:s30+$0x0]  }
0xce: {  	v2 =	vld [tilespmem:s30+$0xFFFFFFA0]  }
0xcf: {  	v3 =	vld [tilespmem:s30+$0xFFFFFFB0]  }
0xd0: {  	v4 =	vld [tilespmem:s30+$0xFFFFFFC0]  }
0xd1: {  	v5 =	vld [tilespmem:s30+$0xFFFFFFD0]  }
0xd2: {  	v6 =	vld [tilespmem:s30+$0xFFFFFFE0];
	vm1 =	vlt.s32 v1, $0xC380  }
0xd3: {  	v7 =	vld [tilespmem:s30+$0xFFFFFFF0];
	vm2 =	vlt.s32 v2, $0xC380  }
0xd4: {  	v8 =	vld [tilespmem:s30+$0xFFFFFF90];
	vm3 =	vlt.s32 v3, $0xC380  }
0xd5: {  	vm4 =	vlt.s32 v4, $0xC380  }
0xd6: {  	vm5 =	vlt.s32 v5, $0xC380  }
0xd7: {  	vm6 =	vlt.s32 v6, $0xC380  }
0xd8: {  	vm7 =	vlt.s32 v7, $0xC380;
	v1 =	vld.idx.msk [tilespmem:v1+s4+$0x0], vm1  }
0xd9: {  	vm0 =	vlt.s32 v8, $0xC380;
	v2 =	vld.idx.msk [tilespmem:v2+s4+$0x0], vm2  }
0xda: {  	v9 =	vld.idx.msk [tilespmem:v3+s4+$0x0], vm3  }
0xdb: {  	v4 =	vld.idx.msk [tilespmem:v4+s4+$0x0], vm4  }
0xdc: {  	v5 =	vld.idx.msk [tilespmem:v5+s4+$0x0], vm5  }
0xdd: {  	v6 =	vld.idx.msk [tilespmem:v6+s4+$0x0], vm6  }
0xde: {  	v7 =	vld.idx.msk [tilespmem:v7+s4+$0x0], vm7  }
0xdf: {  	v3 =	vld.idx.msk [tilespmem:v8+s4+$0x0], vm0;
	v1 =	vnsel vm1, $0x0, v1  }
0xe0: {  	[tilespmem:s0+$0x0] =	vst.add.f32.msk $0xffff, v1;
	v1 =	vnsel vm2, $0x0, v2  }
0xe1: {  	v2 =	vnsel vm3, $0x0, v9;
	[tilespmem:s0+$0xFFFFFFA0] =	vst.add.f32.msk $0xffff, v1  }
0xe2: {  	v1 =	vnsel vm4, $0x0, v4;
	[tilespmem:s0+$0xFFFFFFB0] =	vst.add.f32.msk $0xffff, v2  }
0xe3: {  	v2 =	vnsel vm5, $0x0, v5;
	[tilespmem:s0+$0xFFFFFFC0] =	vst.add.f32.msk $0xffff, v1  }
0xe4: {  	s7 =	simm.s32 $0x198F0;
	s3 =	simm.s32 $0x0;
	v1 =	vnsel vm6, $0x0, v6;
	[tilespmem:s0+$0xFFFFFFD0] =	vst.add.f32.msk $0xffff, v2;
	v2 =	vnsel vm7, $0x0, v7  }
.LBB2_11:
0xe5: {  	v4 =	vld [tilespmem:s7+$0x0];
	s3 =	sadd.s32 $0x80, s3  }
0xe6: {  	v3 =	vnsel vm0, $0x0, v3;
	v5 =	vld [tilespmem:s7+$0xFFFFFFA0];
	p0 =	slt.u32 s3, $0x780  }
0xe7: {  	v6 =	vld [tilespmem:s7+$0xFFFFFFB0]  }
0xe8: {  	v7 =	vld [tilespmem:s7+$0xFFFFFFC0]  }
0xe9: {  	v8 =	vld [tilespmem:s7+$0xFFFFFFD0]  }
0xea: {  	v9 =	vld [tilespmem:s7+$0xFFFFFFE0];
	vm7 =	vlt.s32 v4, $0xC380  }
0xeb: {  	vm5 =	vlt.s32 v5, $0xC380;
	v10 =	vld [tilespmem:s7+$0xFFFFFFF0]  }
0xec: {  	v11 =	vld [tilespmem:s7+$0xFFFFFF90];
	vm6 =	vlt.s32 v6, $0xC380  }
0xed: {  	vm1 =	vlt.s32 v7, $0xC380;
	[tilespmem:s0+$0xFFFFFF90] =	vst.add.f32.msk $0xffff, v3  }
0xee: {  	vm2 =	vlt.s32 v8, $0xC380;
	[tilespmem:s0+$0xFFFFFFE0] =	vst.add.f32.msk $0xffff, v1  }
0xef: {  	vm3 =	vlt.s32 v9, $0xC380;
	[tilespmem:s0+$0xFFFFFFF0] =	vst.add.f32.msk $0xffff, v2  }
0xf0: {  	vm4 =	vlt.s32 v10, $0xC380;
	v1 =	vld.idx.msk [tilespmem:v4+s4+$0x0], vm7  }
0xf1: {  	vm0 =	vlt.s32 v11, $0xC380;
	v2 =	vld.idx.msk [tilespmem:v5+s4+$0x0], vm5  }
0xf2: {  	v4 =	vld.idx.msk [tilespmem:v6+s4+$0x0], vm6  }
0xf3: {  	v5 =	vld.idx.msk [tilespmem:v7+s4+$0x0], vm1  }
0xf4: {  	v6 =	vld.idx.msk [tilespmem:v8+s4+$0x0], vm2  }
0xf5: {  	v7 =	vld.idx.msk [tilespmem:v9+s4+$0x0], vm3  }
0xf6: {  	s0 =	sadd.s32 $0x80, s0;
	v1 =	vnsel vm7, $0x0, v1;
	v8 =	vld.idx.msk [tilespmem:v10+s4+$0x0], vm4  }
0xf7: {  	v2 =	vnsel vm5, $0x0, v2;
	[tilespmem:s0+$0x0] =	vst.add.f32.msk $0xffff, v1  }
.Ltmp4:
0xf8: {  	v1 =	vnsel vm6, $0x0, v4;
	v3 =	vld.idx.msk [tilespmem:v11+s4+$0x0], vm0;
	(pc) =	sbr.rel @p0 .LBB2_11-.Ltmp4, $4  }
0xf9: {  	[tilespmem:s0+$0xFFFFFFA0] =	vst.add.f32.msk $0xffff, v2;
	v2 =	vnsel vm1, $0x0, v5  }
0xfa: {  	v4 =	vnsel vm2, $0x0, v6;
	[tilespmem:s0+$0xFFFFFFB0] =	vst.add.f32.msk $0xffff, v1  }
0xfb: {  	v1 =	vnsel vm3, $0x0, v7;
	[tilespmem:s0+$0xFFFFFFC0] =	vst.add.f32.msk $0xffff, v2  }
0xfc: {  	s7 =	sadd.s32 $0x100, s7;
	v2 =	vnsel vm4, $0x0, v8;
	[tilespmem:s0+$0xFFFFFFD0] =	vst.add.f32.msk $0xffff, v4  }
0xfd: {  	[tilespmem:s0+$0xFFFFFFE0] =	vst.add.f32.msk $0xffff, v1  }
0xfe: {  	v3 =	vnsel vm0, $0x0, v3;
	[tilespmem:s0+$0xFFFFFFF0] =	vst.add.f32.msk $0xffff, v2  }
0xff: {  	s24 =	sadd.s32 s29, s11;
	[tilespmem:s0+$0xFFFFFF90] =	vst.add.f32.msk $0xffff, v3  }
0x100: {  	[tilespmem:s20], [sflag:$0x4] =	stream.strided.gather [hbm4b:s24+s17], $0x1000, s15, s17, $0x38;
	[tilespmem:$0x1E700] =	vst v63  }
0x101: {  	_ =	swait.ge [sflag:s21], $0x1000  }
0x102: {  	[sflag:s21] =	ssyncset.done $0x0  }
0x103: {  	s30 =	simm.s32 $0x18740;
	[sflag:s21] =	ssyncadd.s32 $0xFFFFF000  }
0x104: {  	v1 =	vld [tilespmem:s30+$0x30]  }
0x105: {  	v2 =	vld [tilespmem:s30+$0xFFFFFFD0]  }
0x106: {  	v3 =	vld [tilespmem:s30+$0xFFFFFFE0]  }
0x107: {  	v4 =	vld [tilespmem:s30+$0xFFFFFFF0]  }
0x108: {  	v5 =	vld [tilespmem:s30+$0x0]  }
0x109: {  	v6 =	vld [tilespmem:s30+$0x10];
	vm1 =	vlt.s32 v1, $0xC380  }
0x10a: {  	v7 =	vld [tilespmem:s30+$0x20];
	vm2 =	vlt.s32 v2, $0xC380  }
0x10b: {  	v8 =	vld [tilespmem:s30+$0xFFFFFFC0];
	vm3 =	vlt.s32 v3, $0xC380  }
0x10c: {  	vm4 =	vlt.s32 v4, $0xC380  }
0x10d: {  	vm5 =	vlt.s32 v5, $0xC380  }
0x10e: {  	vm6 =	vlt.s32 v6, $0xC380  }
0x10f: {  	vm7 =	vlt.s32 v7, $0xC380;
	v1 =	vld.idx.msk [tilespmem:v1+s4+$0x0], vm1  }
0x110: {  	vm0 =	vlt.s32 v8, $0xC380;
	v2 =	vld.idx.msk [tilespmem:v2+s4+$0x0], vm2  }
0x111: {  	v9 =	vld.idx.msk [tilespmem:v3+s4+$0x0], vm3  }
0x112: {  	v4 =	vld.idx.msk [tilespmem:v4+s4+$0x0], vm4  }
0x113: {  	v5 =	vld.idx.msk [tilespmem:v5+s4+$0x0], vm5  }
0x114: {  	v6 =	vld.idx.msk [tilespmem:v6+s4+$0x0], vm6  }
0x115: {  	v7 =	vld.idx.msk [tilespmem:v7+s4+$0x0], vm7  }
0x116: {  	s3 =	simm.s32 $0x1C770;
	v3 =	vld.idx.msk [tilespmem:v8+s4+$0x0], vm0;
	v1 =	vnsel vm1, $0x0, v1  }
0x117: {  	[tilespmem:s3+$0x0] =	vst.add.f32.msk $0xffff, v1;
	v1 =	vnsel vm2, $0x0, v2  }
0x118: {  	v2 =	vnsel vm3, $0x0, v9;
	[tilespmem:s3+$0xFFFFFFA0] =	vst.add.f32.msk $0xffff, v1  }
0x119: {  	v1 =	vnsel vm4, $0x0, v4;
	[tilespmem:s3+$0xFFFFFFB0] =	vst.add.f32.msk $0xffff, v2  }
0x11a: {  	v2 =	vnsel vm5, $0x0, v5;
	[tilespmem:s3+$0xFFFFFFC0] =	vst.add.f32.msk $0xffff, v1  }
0x11b: {  	s7 =	simm.s32 $0x0;
	s0 =	simm.s32 $0x1CF70;
	s24 =	simm.s32 $0x18840;
	v1 =	vnsel vm6, $0x0, v6;
	[tilespmem:s3+$0xFFFFFFD0] =	vst.add.f32.msk $0xffff, v2;
	v2 =	vnsel vm7, $0x0, v7  }
.LBB2_13:
0x11c: {  	v4 =	vld [tilespmem:s24+$0x30];
	s7 =	sadd.s32 $0x80, s7  }
0x11d: {  	v3 =	vnsel vm0, $0x0, v3;
	v5 =	vld [tilespmem:s24+$0xFFFFFFD0];
	p0 =	slt.u32 s7, $0x780  }
0x11e: {  	v6 =	vld [tilespmem:s24+$0xFFFFFFE0]  }
0x11f: {  	v7 =	vld [tilespmem:s24+$0xFFFFFFF0]  }
0x120: {  	v8 =	vld [tilespmem:s24+$0x0]  }
0x121: {  	v9 =	vld [tilespmem:s24+$0x10];
	vm7 =	vlt.s32 v4, $0xC380  }
0x122: {  	vm6 =	vlt.s32 v5, $0xC380;
	v10 =	vld [tilespmem:s24+$0x20]  }
0x123: {  	v11 =	vld [tilespmem:s24+$0xFFFFFFC0];
	vm5 =	vlt.s32 v6, $0xC380  }
0x124: {  	vm1 =	vlt.s32 v7, $0xC380;
	[tilespmem:s3+$0xFFFFFF90] =	vst.add.f32.msk $0xffff, v3  }
0x125: {  	vm2 =	vlt.s32 v8, $0xC380;
	[tilespmem:s3+$0xFFFFFFE0] =	vst.add.f32.msk $0xffff, v1  }
0x126: {  	vm3 =	vlt.s32 v9, $0xC380;
	[tilespmem:s3+$0xFFFFFFF0] =	vst.add.f32.msk $0xffff, v2  }
0x127: {  	vm4 =	vlt.s32 v10, $0xC380;
	v1 =	vld.idx.msk [tilespmem:v4+s4+$0x0], vm7  }
0x128: {  	vm0 =	vlt.s32 v11, $0xC380;
	v2 =	vld.idx.msk [tilespmem:v5+s4+$0x0], vm6  }
0x129: {  	v4 =	vld.idx.msk [tilespmem:v6+s4+$0x0], vm5  }
0x12a: {  	v5 =	vld.idx.msk [tilespmem:v7+s4+$0x0], vm1  }
0x12b: {  	v6 =	vld.idx.msk [tilespmem:v8+s4+$0x0], vm2  }
0x12c: {  	v7 =	vld.idx.msk [tilespmem:v9+s4+$0x0], vm3  }
0x12d: {  	s3 =	sadd.s32 $0x80, s3;
	v1 =	vnsel vm7, $0x0, v1;
	v8 =	vld.idx.msk [tilespmem:v10+s4+$0x0], vm4  }
0x12e: {  	s8 =	simm.s32 $0x187F0;
	v2 =	vnsel vm6, $0x0, v2;
	[tilespmem:s3+$0x0] =	vst.add.f32.msk $0xffff, v1  }
.Ltmp5:
0x12f: {  	v1 =	vnsel vm5, $0x0, v4;
	v3 =	vld.idx.msk [tilespmem:v11+s4+$0x0], vm0;
	(pc) =	sbr.rel @p0 .LBB2_13-.Ltmp5, $4  }
0x130: {  	[tilespmem:s3+$0xFFFFFFA0] =	vst.add.f32.msk $0xffff, v2;
	v2 =	vnsel vm1, $0x0, v5  }
0x131: {  	v4 =	vnsel vm2, $0x0, v6;
	[tilespmem:s3+$0xFFFFFFB0] =	vst.add.f32.msk $0xffff, v1  }
0x132: {  	v1 =	vnsel vm3, $0x0, v7;
	[tilespmem:s3+$0xFFFFFFC0] =	vst.add.f32.msk $0xffff, v2  }
0x133: {  	s24 =	sadd.s32 $0x100, s24;
	v2 =	vnsel vm4, $0x0, v8;
	[tilespmem:s3+$0xFFFFFFD0] =	vst.add.f32.msk $0xffff, v4  }
0x134: {  	[tilespmem:s3+$0xFFFFFFE0] =	vst.add.f32.msk $0xffff, v1  }
0x135: {  	v3 =	vnsel vm0, $0x0, v3;
	[tilespmem:s3+$0xFFFFFFF0] =	vst.add.f32.msk $0xffff, v2  }
0x136: {  	[tilespmem:s3+$0xFFFFFF90] =	vst.add.f32.msk $0xffff, v3  }
0x137: {  	v1 =	vld [tilespmem:s8+$0x0]  }
0x138: {  	v2 =	vld [tilespmem:s8+$0xFFFFFFA0]  }
0x139: {  	v3 =	vld [tilespmem:s8+$0xFFFFFFB0]  }
0x13a: {  	v4 =	vld [tilespmem:s8+$0xFFFFFFC0]  }
0x13b: {  	v5 =	vld [tilespmem:s8+$0xFFFFFFD0]  }
0x13c: {  	v6 =	vld [tilespmem:s8+$0xFFFFFFE0];
	vm1 =	vlt.s32 v1, $0xC380  }
0x13d: {  	v7 =	vld [tilespmem:s8+$0xFFFFFFF0];
	vm2 =	vlt.s32 v2, $0xC380  }
0x13e: {  	v8 =	vld [tilespmem:s8+$0xFFFFFF90];
	vm3 =	vlt.s32 v3, $0xC380  }
0x13f: {  	vm4 =	vlt.s32 v4, $0xC380  }
0x140: {  	vm5 =	vlt.s32 v5, $0xC380  }
0x141: {  	vm6 =	vlt.s32 v6, $0xC380  }
0x142: {  	vm7 =	vlt.s32 v7, $0xC380;
	v1 =	vld.idx.msk [tilespmem:v1+s4+$0x0], vm1  }
0x143: {  	vm0 =	vlt.s32 v8, $0xC380;
	v2 =	vld.idx.msk [tilespmem:v2+s4+$0x0], vm2  }
0x144: {  	v9 =	vld.idx.msk [tilespmem:v3+s4+$0x0], vm3  }
0x145: {  	v4 =	vld.idx.msk [tilespmem:v4+s4+$0x0], vm4  }
0x146: {  	v5 =	vld.idx.msk [tilespmem:v5+s4+$0x0], vm5  }
0x147: {  	v6 =	vld.idx.msk [tilespmem:v6+s4+$0x0], vm6  }
0x148: {  	v7 =	vld.idx.msk [tilespmem:v7+s4+$0x0], vm7  }
0x149: {  	v3 =	vld.idx.msk [tilespmem:v8+s4+$0x0], vm0;
	v1 =	vnsel vm1, $0x0, v1  }
0x14a: {  	[tilespmem:s0+$0x0] =	vst.add.f32.msk $0xffff, v1;
	v1 =	vnsel vm2, $0x0, v2  }
0x14b: {  	v2 =	vnsel vm3, $0x0, v9;
	[tilespmem:s0+$0xFFFFFFA0] =	vst.add.f32.msk $0xffff, v1  }
0x14c: {  	v1 =	vnsel vm4, $0x0, v4;
	[tilespmem:s0+$0xFFFFFFB0] =	vst.add.f32.msk $0xffff, v2  }
0x14d: {  	v2 =	vnsel vm5, $0x0, v5;
	[tilespmem:s0+$0xFFFFFFC0] =	vst.add.f32.msk $0xffff, v1  }
0x14e: {  	s7 =	simm.s32 $0x188F0;
	s3 =	simm.s32 $0x0;
	v1 =	vnsel vm6, $0x0, v6;
	[tilespmem:s0+$0xFFFFFFD0] =	vst.add.f32.msk $0xffff, v2;
	v2 =	vnsel vm7, $0x0, v7  }
.LBB2_15:
0x14f: {  	v4 =	vld [tilespmem:s7+$0x0];
	s3 =	sadd.s32 $0x80, s3  }
0x150: {  	v3 =	vnsel vm0, $0x0, v3;
	v5 =	vld [tilespmem:s7+$0xFFFFFFA0];
	p0 =	slt.u32 s3, $0x780  }
0x151: {  	v6 =	vld [tilespmem:s7+$0xFFFFFFB0]  }
0x152: {  	v7 =	vld [tilespmem:s7+$0xFFFFFFC0]  }
0x153: {  	v8 =	vld [tilespmem:s7+$0xFFFFFFD0]  }
0x154: {  	v9 =	vld [tilespmem:s7+$0xFFFFFFE0];
	vm7 =	vlt.s32 v4, $0xC380  }
0x155: {  	vm5 =	vlt.s32 v5, $0xC380;
	v10 =	vld [tilespmem:s7+$0xFFFFFFF0]  }
0x156: {  	v11 =	vld [tilespmem:s7+$0xFFFFFF90];
	vm6 =	vlt.s32 v6, $0xC380  }
0x157: {  	vm1 =	vlt.s32 v7, $0xC380;
	[tilespmem:s0+$0xFFFFFF90] =	vst.add.f32.msk $0xffff, v3  }
0x158: {  	vm2 =	vlt.s32 v8, $0xC380;
	[tilespmem:s0+$0xFFFFFFE0] =	vst.add.f32.msk $0xffff, v1  }
0x159: {  	vm3 =	vlt.s32 v9, $0xC380;
	[tilespmem:s0+$0xFFFFFFF0] =	vst.add.f32.msk $0xffff, v2  }
0x15a: {  	vm4 =	vlt.s32 v10, $0xC380;
	v1 =	vld.idx.msk [tilespmem:v4+s4+$0x0], vm7  }
0x15b: {  	vm0 =	vlt.s32 v11, $0xC380;
	v2 =	vld.idx.msk [tilespmem:v5+s4+$0x0], vm5  }
0x15c: {  	v4 =	vld.idx.msk [tilespmem:v6+s4+$0x0], vm6  }
0x15d: {  	v5 =	vld.idx.msk [tilespmem:v7+s4+$0x0], vm1  }
0x15e: {  	v6 =	vld.idx.msk [tilespmem:v8+s4+$0x0], vm2  }
0x15f: {  	v7 =	vld.idx.msk [tilespmem:v9+s4+$0x0], vm3  }
0x160: {  	s0 =	sadd.s32 $0x80, s0;
	v1 =	vnsel vm7, $0x0, v1;
	v8 =	vld.idx.msk [tilespmem:v10+s4+$0x0], vm4  }
0x161: {  	v2 =	vnsel vm5, $0x0, v2;
	[tilespmem:s0+$0x0] =	vst.add.f32.msk $0xffff, v1  }
.Ltmp6:
0x162: {  	v1 =	vnsel vm6, $0x0, v4;
	v3 =	vld.idx.msk [tilespmem:v11+s4+$0x0], vm0;
	(pc) =	sbr.rel @p0 .LBB2_15-.Ltmp6, $4  }
0x163: {  	[tilespmem:s0+$0xFFFFFFA0] =	vst.add.f32.msk $0xffff, v2;
	v2 =	vnsel vm1, $0x0, v5  }
0x164: {  	v4 =	vnsel vm2, $0x0, v6;
	[tilespmem:s0+$0xFFFFFFB0] =	vst.add.f32.msk $0xffff, v1  }
0x165: {  	v1 =	vnsel vm3, $0x0, v7;
	[tilespmem:s0+$0xFFFFFFC0] =	vst.add.f32.msk $0xffff, v2  }
0x166: {  	s7 =	sadd.s32 $0x100, s7;
	v2 =	vnsel vm4, $0x0, v8;
	[tilespmem:s0+$0xFFFFFFD0] =	vst.add.f32.msk $0xffff, v4  }
0x167: {  	[tilespmem:s0+$0xFFFFFFE0] =	vst.add.f32.msk $0xffff, v1  }
0x168: {  	v3 =	vnsel vm0, $0x0, v3;
	[tilespmem:s0+$0xFFFFFFF0] =	vst.add.f32.msk $0xffff, v2  }
0x169: {  	[tilespmem:s0+$0xFFFFFF90] =	vst.add.f32.msk $0xffff, v3  }
0x16a: {  	_ =	swait.ge [sflag:s22], $0x1000  }
0x16b: {  	[sflag:s22] =	ssyncset.done $0x0  }
0x16c: {  	s30 =	simm.s32 $0x19740;
	[sflag:s22] =	ssyncadd.s32 $0xFFFFF000  }
0x16d: {  	v1 =	vld [tilespmem:s30+$0x30]  }
0x16e: {  	v2 =	vld [tilespmem:s30+$0xFFFFFFD0]  }
0x16f: {  	v3 =	vld [tilespmem:s30+$0xFFFFFFE0]  }
0x170: {  	v4 =	vld [tilespmem:s30+$0xFFFFFFF0]  }
0x171: {  	v5 =	vld [tilespmem:s30+$0x0]  }
0x172: {  	v6 =	vld [tilespmem:s30+$0x10];
	vm1 =	vlt.s32 v1, $0xC380  }
0x173: {  	v7 =	vld [tilespmem:s30+$0x20];
	vm2 =	vlt.s32 v2, $0xC380  }
0x174: {  	v8 =	vld [tilespmem:s30+$0xFFFFFFC0];
	vm3 =	vlt.s32 v3, $0xC380  }
0x175: {  	vm4 =	vlt.s32 v4, $0xC380  }
0x176: {  	vm5 =	vlt.s32 v5, $0xC380  }
0x177: {  	vm6 =	vlt.s32 v6, $0xC380  }
0x178: {  	vm7 =	vlt.s32 v7, $0xC380;
	v1 =	vld.idx.msk [tilespmem:v1+s4+$0x0], vm1  }
0x179: {  	vm0 =	vlt.s32 v8, $0xC380;
	v2 =	vld.idx.msk [tilespmem:v2+s4+$0x0], vm2  }
0x17a: {  	v9 =	vld.idx.msk [tilespmem:v3+s4+$0x0], vm3  }
0x17b: {  	v4 =	vld.idx.msk [tilespmem:v4+s4+$0x0], vm4  }
0x17c: {  	v5 =	vld.idx.msk [tilespmem:v5+s4+$0x0], vm5  }
0x17d: {  	v6 =	vld.idx.msk [tilespmem:v6+s4+$0x0], vm6  }
0x17e: {  	v7 =	vld.idx.msk [tilespmem:v7+s4+$0x0], vm7  }
0x17f: {  	s3 =	simm.s32 $0x1D770;
	v3 =	vld.idx.msk [tilespmem:v8+s4+$0x0], vm0;
	v1 =	vnsel vm1, $0x0, v1  }
0x180: {  	[tilespmem:s3+$0x0] =	vst.add.f32.msk $0xffff, v1;
	v1 =	vnsel vm2, $0x0, v2  }
0x181: {  	v2 =	vnsel vm3, $0x0, v9;
	[tilespmem:s3+$0xFFFFFFA0] =	vst.add.f32.msk $0xffff, v1  }
0x182: {  	v1 =	vnsel vm4, $0x0, v4;
	[tilespmem:s3+$0xFFFFFFB0] =	vst.add.f32.msk $0xffff, v2  }
0x183: {  	v2 =	vnsel vm5, $0x0, v5;
	[tilespmem:s3+$0xFFFFFFC0] =	vst.add.f32.msk $0xffff, v1  }
0x184: {  	s7 =	simm.s32 $0x0;
	s24 =	simm.s32 $0x19840;
	s0 =	simm.s32 $0x1DF70;
	v1 =	vnsel vm6, $0x0, v6;
	[tilespmem:s3+$0xFFFFFFD0] =	vst.add.f32.msk $0xffff, v2;
	v2 =	vnsel vm7, $0x0, v7  }
.LBB2_17:
0x185: {  	v4 =	vld [tilespmem:s24+$0x30];
	s7 =	sadd.s32 $0x80, s7  }
0x186: {  	v3 =	vnsel vm0, $0x0, v3;
	v5 =	vld [tilespmem:s24+$0xFFFFFFD0];
	p0 =	slt.u32 s7, $0x780  }
0x187: {  	v6 =	vld [tilespmem:s24+$0xFFFFFFE0]  }
0x188: {  	v7 =	vld [tilespmem:s24+$0xFFFFFFF0]  }
0x189: {  	v8 =	vld [tilespmem:s24+$0x0]  }
0x18a: {  	v9 =	vld [tilespmem:s24+$0x10];
	vm7 =	vlt.s32 v4, $0xC380  }
0x18b: {  	vm6 =	vlt.s32 v5, $0xC380;
	v10 =	vld [tilespmem:s24+$0x20]  }
0x18c: {  	v11 =	vld [tilespmem:s24+$0xFFFFFFC0];
	vm5 =	vlt.s32 v6, $0xC380  }
0x18d: {  	vm1 =	vlt.s32 v7, $0xC380;
	[tilespmem:s3+$0xFFFFFF90] =	vst.add.f32.msk $0xffff, v3  }
0x18e: {  	vm2 =	vlt.s32 v8, $0xC380;
	[tilespmem:s3+$0xFFFFFFE0] =	vst.add.f32.msk $0xffff, v1  }
0x18f: {  	vm3 =	vlt.s32 v9, $0xC380;
	[tilespmem:s3+$0xFFFFFFF0] =	vst.add.f32.msk $0xffff, v2  }
0x190: {  	vm4 =	vlt.s32 v10, $0xC380;
	v1 =	vld.idx.msk [tilespmem:v4+s4+$0x0], vm7  }
0x191: {  	vm0 =	vlt.s32 v11, $0xC380;
	v2 =	vld.idx.msk [tilespmem:v5+s4+$0x0], vm6  }
0x192: {  	v4 =	vld.idx.msk [tilespmem:v6+s4+$0x0], vm5  }
0x193: {  	v5 =	vld.idx.msk [tilespmem:v7+s4+$0x0], vm1  }
0x194: {  	v6 =	vld.idx.msk [tilespmem:v8+s4+$0x0], vm2  }
0x195: {  	v7 =	vld.idx.msk [tilespmem:v9+s4+$0x0], vm3  }
0x196: {  	s3 =	sadd.s32 $0x80, s3;
	v1 =	vnsel vm7, $0x0, v1;
	v8 =	vld.idx.msk [tilespmem:v10+s4+$0x0], vm4  }
0x197: {  	s8 =	simm.s32 $0x197F0;
	v2 =	vnsel vm6, $0x0, v2;
	[tilespmem:s3+$0x0] =	vst.add.f32.msk $0xffff, v1  }
.Ltmp7:
0x198: {  	v1 =	vnsel vm5, $0x0, v4;
	v3 =	vld.idx.msk [tilespmem:v11+s4+$0x0], vm0;
	(pc) =	sbr.rel @p0 .LBB2_17-.Ltmp7, $4  }
0x199: {  	[tilespmem:s3+$0xFFFFFFA0] =	vst.add.f32.msk $0xffff, v2;
	v2 =	vnsel vm1, $0x0, v5  }
0x19a: {  	v4 =	vnsel vm2, $0x0, v6;
	[tilespmem:s3+$0xFFFFFFB0] =	vst.add.f32.msk $0xffff, v1  }
0x19b: {  	v1 =	vnsel vm3, $0x0, v7;
	[tilespmem:s3+$0xFFFFFFC0] =	vst.add.f32.msk $0xffff, v2  }
0x19c: {  	s24 =	sadd.s32 $0x100, s24;
	v2 =	vnsel vm4, $0x0, v8;
	[tilespmem:s3+$0xFFFFFFD0] =	vst.add.f32.msk $0xffff, v4  }
0x19d: {  	[tilespmem:s3+$0xFFFFFFE0] =	vst.add.f32.msk $0xffff, v1  }
0x19e: {  	v3 =	vnsel vm0, $0x0, v3;
	[tilespmem:s3+$0xFFFFFFF0] =	vst.add.f32.msk $0xffff, v2  }
0x19f: {  	[tilespmem:s3+$0xFFFFFF90] =	vst.add.f32.msk $0xffff, v3  }
0x1a0: {  	v1 =	vld [tilespmem:s8+$0x0]  }
0x1a1: {  	v2 =	vld [tilespmem:s8+$0xFFFFFFA0]  }
0x1a2: {  	v3 =	vld [tilespmem:s8+$0xFFFFFFB0]  }
0x1a3: {  	v4 =	vld [tilespmem:s8+$0xFFFFFFC0]  }
0x1a4: {  	v5 =	vld [tilespmem:s8+$0xFFFFFFD0]  }
0x1a5: {  	v6 =	vld [tilespmem:s8+$0xFFFFFFE0];
	vm1 =	vlt.s32 v1, $0xC380  }
0x1a6: {  	v7 =	vld [tilespmem:s8+$0xFFFFFFF0];
	vm2 =	vlt.s32 v2, $0xC380  }
0x1a7: {  	v8 =	vld [tilespmem:s8+$0xFFFFFF90];
	vm3 =	vlt.s32 v3, $0xC380  }
0x1a8: {  	vm4 =	vlt.s32 v4, $0xC380  }
0x1a9: {  	vm5 =	vlt.s32 v5, $0xC380  }
0x1aa: {  	vm6 =	vlt.s32 v6, $0xC380  }
0x1ab: {  	vm7 =	vlt.s32 v7, $0xC380;
	v1 =	vld.idx.msk [tilespmem:v1+s4+$0x0], vm1  }
0x1ac: {  	vm0 =	vlt.s32 v8, $0xC380;
	v2 =	vld.idx.msk [tilespmem:v2+s4+$0x0], vm2  }
0x1ad: {  	v9 =	vld.idx.msk [tilespmem:v3+s4+$0x0], vm3  }
0x1ae: {  	v4 =	vld.idx.msk [tilespmem:v4+s4+$0x0], vm4  }
0x1af: {  	v5 =	vld.idx.msk [tilespmem:v5+s4+$0x0], vm5  }
0x1b0: {  	v6 =	vld.idx.msk [tilespmem:v6+s4+$0x0], vm6  }
0x1b1: {  	v7 =	vld.idx.msk [tilespmem:v7+s4+$0x0], vm7  }
0x1b2: {  	v3 =	vld.idx.msk [tilespmem:v8+s4+$0x0], vm0;
	v1 =	vnsel vm1, $0x0, v1  }
0x1b3: {  	[tilespmem:s0+$0x0] =	vst.add.f32.msk $0xffff, v1;
	v1 =	vnsel vm2, $0x0, v2  }
0x1b4: {  	v2 =	vnsel vm3, $0x0, v9;
	[tilespmem:s0+$0xFFFFFFA0] =	vst.add.f32.msk $0xffff, v1  }
0x1b5: {  	v1 =	vnsel vm4, $0x0, v4;
	[tilespmem:s0+$0xFFFFFFB0] =	vst.add.f32.msk $0xffff, v2  }
0x1b6: {  	v2 =	vnsel vm5, $0x0, v5;
	[tilespmem:s0+$0xFFFFFFC0] =	vst.add.f32.msk $0xffff, v1  }
0x1b7: {  	s7 =	simm.s32 $0x198F0;
	s3 =	simm.s32 $0x0;
	v1 =	vnsel vm6, $0x0, v6;
	[tilespmem:s0+$0xFFFFFFD0] =	vst.add.f32.msk $0xffff, v2;
	v2 =	vnsel vm7, $0x0, v7  }
.LBB2_19:
0x1b8: {  	v4 =	vld [tilespmem:s7+$0x0];
	s3 =	sadd.s32 $0x80, s3  }
0x1b9: {  	v3 =	vnsel vm0, $0x0, v3;
	v5 =	vld [tilespmem:s7+$0xFFFFFFA0];
	p0 =	slt.u32 s3, $0x780  }
0x1ba: {  	v6 =	vld [tilespmem:s7+$0xFFFFFFB0]  }
0x1bb: {  	v7 =	vld [tilespmem:s7+$0xFFFFFFC0]  }
0x1bc: {  	v8 =	vld [tilespmem:s7+$0xFFFFFFD0]  }
0x1bd: {  	v9 =	vld [tilespmem:s7+$0xFFFFFFE0];
	vm7 =	vlt.s32 v4, $0xC380  }
0x1be: {  	vm5 =	vlt.s32 v5, $0xC380;
	v10 =	vld [tilespmem:s7+$0xFFFFFFF0]  }
0x1bf: {  	v11 =	vld [tilespmem:s7+$0xFFFFFF90];
	vm6 =	vlt.s32 v6, $0xC380  }
0x1c0: {  	vm1 =	vlt.s32 v7, $0xC380;
	[tilespmem:s0+$0xFFFFFF90] =	vst.add.f32.msk $0xffff, v3  }
0x1c1: {  	vm2 =	vlt.s32 v8, $0xC380;
	[tilespmem:s0+$0xFFFFFFE0] =	vst.add.f32.msk $0xffff, v1  }
0x1c2: {  	vm3 =	vlt.s32 v9, $0xC380;
	[tilespmem:s0+$0xFFFFFFF0] =	vst.add.f32.msk $0xffff, v2  }
0x1c3: {  	vm4 =	vlt.s32 v10, $0xC380;
	v1 =	vld.idx.msk [tilespmem:v4+s4+$0x0], vm7  }
0x1c4: {  	vm0 =	vlt.s32 v11, $0xC380;
	v2 =	vld.idx.msk [tilespmem:v5+s4+$0x0], vm5  }
0x1c5: {  	v4 =	vld.idx.msk [tilespmem:v6+s4+$0x0], vm6  }
0x1c6: {  	v5 =	vld.idx.msk [tilespmem:v7+s4+$0x0], vm1  }
0x1c7: {  	v6 =	vld.idx.msk [tilespmem:v8+s4+$0x0], vm2  }
0x1c8: {  	v7 =	vld.idx.msk [tilespmem:v9+s4+$0x0], vm3  }
0x1c9: {  	s0 =	sadd.s32 $0x80, s0;
	v1 =	vnsel vm7, $0x0, v1;
	v8 =	vld.idx.msk [tilespmem:v10+s4+$0x0], vm4  }
0x1ca: {  	v2 =	vnsel vm5, $0x0, v2;
	[tilespmem:s0+$0x0] =	vst.add.f32.msk $0xffff, v1  }
.Ltmp8:
0x1cb: {  	v1 =	vnsel vm6, $0x0, v4;
	v3 =	vld.idx.msk [tilespmem:v11+s4+$0x0], vm0;
	(pc) =	sbr.rel @p0 .LBB2_19-.Ltmp8, $4  }
0x1cc: {  	[tilespmem:s0+$0xFFFFFFA0] =	vst.add.f32.msk $0xffff, v2;
	v2 =	vnsel vm1, $0x0, v5  }
0x1cd: {  	v4 =	vnsel vm2, $0x0, v6;
	[tilespmem:s0+$0xFFFFFFB0] =	vst.add.f32.msk $0xffff, v1  }
0x1ce: {  	v1 =	vnsel vm3, $0x0, v7;
	[tilespmem:s0+$0xFFFFFFC0] =	vst.add.f32.msk $0xffff, v2  }
0x1cf: {  	s7 =	sadd.s32 $0x100, s7;
	v2 =	vnsel vm4, $0x0, v8;
	[tilespmem:s0+$0xFFFFFFD0] =	vst.add.f32.msk $0xffff, v4  }
0x1d0: {  	s30 =	sadd.s32 $0x1, s31;
	p0 =	seq.s32 s31, $0x19  }
0x1d1: {  	s31 =	smul.u32 @!p0 $0x30E000, s30  }
0x1d2: {  	[tilespmem:s0+$0xFFFFFFE0] =	vst.add.f32.msk $0xffff, v1  }
0x1d3: {  	v3 =	vnsel vm0, $0x0, v3;
	[tilespmem:s0+$0xFFFFFFF0] =	vst.add.f32.msk $0xffff, v2;
	s3 =	sadd.s32 @!p0 s5, s31  }
0x1d4: {  	[tilespmem:s0+$0xFFFFFF90] =	vst.add.f32.msk $0xffff, v3;
	s0 =	simm.s32 @!p0 $0x80;
	s3 =	sshrl.u32 @!p0 s3, $0x3  }
0x1d5: {  	s7 =	simm.s32 @!p0 $0x400;
	s8 =	simm.s32 @!p0 $0x0;
	s3 =	sadd.s32 @!p0 s1, s3  }
0x1d6: {  	[tilespmem:s8], [sflag:$0x1] =	stream.strided.gather @!p0 [hbm4b:s3+s0], $0xC380, s7, s0, $0x38;
	[tilespmem:$0x1E700] =	vst v63  }
0x1d7: {  	_ =	swait.ge [sflag:s23], $0xC380  }
0x1d8: {  	[sflag:s23] =	ssyncset.done $0x0  }
0x1d9: {  	s24 =	simm.s32 $0x18740;
	[sflag:s23] =	ssyncadd.s32 $0xFFFF3C80  }
0x1da: {  	v1 =	vld [tilespmem:s24+$0x30]  }
0x1db: {  	v2 =	vld [tilespmem:s24+$0xFFFFFFD0]  }
0x1dc: {  	v3 =	vld [tilespmem:s24+$0xFFFFFFE0]  }
0x1dd: {  	v4 =	vld [tilespmem:s24+$0xFFFFFFF0]  }
0x1de: {  	v5 =	vld [tilespmem:s24+$0x0]  }
0x1df: {  	v6 =	vld [tilespmem:s24+$0x10];
	vm1 =	vgt.s32 v1, $0xC37F  }
0x1e0: {  	v7 =	vld [tilespmem:s24+$0x20];
	vm2 =	vgt.s32 v2, $0xC37F;
	v1 =	vadd.s32 $0xFFFF3C80, v1  }
0x1e1: {  	v8 =	vld [tilespmem:s24+$0xFFFFFFC0];
	v2 =	vadd.s32 $0xFFFF3C80, v2;
	vm3 =	vgt.s32 v3, $0xC37F  }
0x1e2: {  	v3 =	vadd.s32 $0xFFFF3C80, v3;
	vm4 =	vgt.s32 v4, $0xC37F  }
0x1e3: {  	v4 =	vadd.s32 $0xFFFF3C80, v4;
	vm5 =	vgt.s32 v5, $0xC37F  }
0x1e4: {  	v5 =	vadd.s32 $0xFFFF3C80, v5;
	vm6 =	vgt.s32 v6, $0xC37F  }
0x1e5: {  	v6 =	vadd.s32 $0xFFFF3C80, v6;
	vm7 =	vgt.s32 v7, $0xC37F;
	v1 =	vld.idx.msk [tilespmem:v1+s16+$0x0], vm1  }
0x1e6: {  	v7 =	vadd.s32 $0xFFFF3C80, v7;
	vm0 =	vgt.s32 v8, $0xC37F;
	v2 =	vld.idx.msk [tilespmem:v2+s16+$0x0], vm2  }
0x1e7: {  	v9 =	vld.idx.msk [tilespmem:v3+s16+$0x0], vm3;
	v3 =	vadd.s32 $0xFFFF3C80, v8  }
0x1e8: {  	v4 =	vld.idx.msk [tilespmem:v4+s16+$0x0], vm4  }
0x1e9: {  	v5 =	vld.idx.msk [tilespmem:v5+s16+$0x0], vm5  }
0x1ea: {  	v6 =	vld.idx.msk [tilespmem:v6+s16+$0x0], vm6  }
0x1eb: {  	v7 =	vld.idx.msk [tilespmem:v7+s16+$0x0], vm7  }
0x1ec: {  	s3 =	simm.s32 $0x1C770;
	v1 =	vnsel vm1, $0x0, v1;
	v3 =	vld.idx.msk [tilespmem:v3+s16+$0x0], vm0  }
0x1ed: {  	[tilespmem:s3+$0x0] =	vst.add.f32.msk $0xffff, v1;
	v1 =	vnsel vm2, $0x0, v2  }
0x1ee: {  	v2 =	vnsel vm3, $0x0, v9;
	[tilespmem:s3+$0xFFFFFFA0] =	vst.add.f32.msk $0xffff, v1  }
0x1ef: {  	v1 =	vnsel vm4, $0x0, v4;
	[tilespmem:s3+$0xFFFFFFB0] =	vst.add.f32.msk $0xffff, v2  }
0x1f0: {  	v2 =	vnsel vm5, $0x0, v5;
	[tilespmem:s3+$0xFFFFFFC0] =	vst.add.f32.msk $0xffff, v1  }
0x1f1: {  	s7 =	simm.s32 $0x18840;
	s24 =	simm.s32 $0x0;
	v1 =	vnsel vm6, $0x0, v6;
	[tilespmem:s3+$0xFFFFFFD0] =	vst.add.f32.msk $0xffff, v2;
	v2 =	vnsel vm7, $0x0, v7  }
.LBB2_21:
0x1f2: {  	v4 =	vld [tilespmem:s7+$0x30];
	s24 =	sadd.s32 $0x80, s24  }
0x1f3: {  	v3 =	vnsel vm0, $0x0, v3;
	v5 =	vld [tilespmem:s7+$0xFFFFFFD0];
	p1 =	slt.u32 s24, $0x780  }
0x1f4: {  	v6 =	vld [tilespmem:s7+$0xFFFFFFE0]  }
0x1f5: {  	v7 =	vld [tilespmem:s7+$0xFFFFFFF0]  }
0x1f6: {  	v8 =	vld [tilespmem:s7+$0x0]  }
0x1f7: {  	v9 =	vld [tilespmem:s7+$0x10];
	vm5 =	vgt.s32 v4, $0xC37F  }
0x1f8: {  	v4 =	vadd.s32 $0xFFFF3C80, v4;
	vm1 =	vgt.s32 v5, $0xC37F;
	v5 =	vadd.s32 $0xFFFF3C80, v5;
	v10 =	vld [tilespmem:s7+$0x20]  }
0x1f9: {  	v11 =	vld [tilespmem:s7+$0xFFFFFFC0];
	vm2 =	vgt.s32 v6, $0xC37F;
	v6 =	vadd.s32 $0xFFFF3C80, v6  }
0x1fa: {  	vm3 =	vgt.s32 v7, $0xC37F;
	v7 =	vadd.s32 $0xFFFF3C80, v7;
	[tilespmem:s3+$0xFFFFFF90] =	vst.add.f32.msk $0xffff, v3  }
0x1fb: {  	vm4 =	vgt.s32 v8, $0xC37F;
	v3 =	vadd.s32 $0xFFFF3C80, v8;
	[tilespmem:s3+$0xFFFFFFE0] =	vst.add.f32.msk $0xffff, v1  }
0x1fc: {  	vm6 =	vgt.s32 v9, $0xC37F;
	v1 =	vadd.s32 $0xFFFF3C80, v9;
	[tilespmem:s3+$0xFFFFFFF0] =	vst.add.f32.msk $0xffff, v2  }
0x1fd: {  	vm7 =	vgt.s32 v10, $0xC37F;
	v2 =	vadd.s32 $0xFFFF3C80, v10;
	v4 =	vld.idx.msk [tilespmem:v4+s16+$0x0], vm5  }
0x1fe: {  	vm0 =	vgt.s32 v11, $0xC37F;
	v8 =	vadd.s32 $0xFFFF3C80, v11;
	v5 =	vld.idx.msk [tilespmem:v5+s16+$0x0], vm1  }
0x1ff: {  	v6 =	vld.idx.msk [tilespmem:v6+s16+$0x0], vm2  }
0x200: {  	v7 =	vld.idx.msk [tilespmem:v7+s16+$0x0], vm3  }
0x201: {  	v9 =	vld.idx.msk [tilespmem:v3+s16+$0x0], vm4  }
0x202: {  	v1 =	vld.idx.msk [tilespmem:v1+s16+$0x0], vm6  }
0x203: {  	s3 =	sadd.s32 $0x80, s3;
	v3 =	vnsel vm5, $0x0, v4;
	v2 =	vld.idx.msk [tilespmem:v2+s16+$0x0], vm7  }
0x204: {  	s0 =	simm.s32 $0x1CF70;
	s8 =	simm.s32 $0x187F0;
	v4 =	vnsel vm1, $0x0, v5;
	[tilespmem:s3+$0x0] =	vst.add.f32.msk $0xffff, v3  }
.Ltmp9:
0x205: {  	v5 =	vnsel vm2, $0x0, v6;
	v3 =	vld.idx.msk [tilespmem:v8+s16+$0x0], vm0;
	(pc) =	sbr.rel @p1 .LBB2_21-.Ltmp9, $4  }
0x206: {  	[tilespmem:s3+$0xFFFFFFA0] =	vst.add.f32.msk $0xffff, v4;
	v4 =	vnsel vm3, $0x0, v7  }
0x207: {  	[tilespmem:s3+$0xFFFFFFB0] =	vst.add.f32.msk $0xffff, v5;
	v5 =	vnsel vm4, $0x0, v9  }
0x208: {  	v1 =	vnsel vm6, $0x0, v1;
	[tilespmem:s3+$0xFFFFFFC0] =	vst.add.f32.msk $0xffff, v4  }
0x209: {  	s7 =	sadd.s32 $0x100, s7;
	v2 =	vnsel vm7, $0x0, v2;
	[tilespmem:s3+$0xFFFFFFD0] =	vst.add.f32.msk $0xffff, v5  }
0x20a: {  	[tilespmem:s3+$0xFFFFFFE0] =	vst.add.f32.msk $0xffff, v1  }
0x20b: {  	v3 =	vnsel vm0, $0x0, v3;
	[tilespmem:s3+$0xFFFFFFF0] =	vst.add.f32.msk $0xffff, v2  }
0x20c: {  	[tilespmem:s3+$0xFFFFFF90] =	vst.add.f32.msk $0xffff, v3  }
0x20d: {  	v1 =	vld [tilespmem:s8+$0x0]  }
0x20e: {  	v2 =	vld [tilespmem:s8+$0xFFFFFFA0]  }
0x20f: {  	v3 =	vld [tilespmem:s8+$0xFFFFFFB0]  }
0x210: {  	v4 =	vld [tilespmem:s8+$0xFFFFFFC0]  }
0x211: {  	v5 =	vld [tilespmem:s8+$0xFFFFFFD0]  }
0x212: {  	v6 =	vld [tilespmem:s8+$0xFFFFFFE0];
	vm1 =	vgt.s32 v1, $0xC37F  }
0x213: {  	v7 =	vld [tilespmem:s8+$0xFFFFFFF0];
	vm2 =	vgt.s32 v2, $0xC37F;
	v1 =	vadd.s32 $0xFFFF3C80, v1  }
0x214: {  	v8 =	vld [tilespmem:s8+$0xFFFFFF90];
	v2 =	vadd.s32 $0xFFFF3C80, v2;
	vm3 =	vgt.s32 v3, $0xC37F  }
0x215: {  	v3 =	vadd.s32 $0xFFFF3C80, v3;
	vm4 =	vgt.s32 v4, $0xC37F  }
0x216: {  	v4 =	vadd.s32 $0xFFFF3C80, v4;
	vm5 =	vgt.s32 v5, $0xC37F  }
0x217: {  	v5 =	vadd.s32 $0xFFFF3C80, v5;
	vm6 =	vgt.s32 v6, $0xC37F  }
0x218: {  	v6 =	vadd.s32 $0xFFFF3C80, v6;
	vm7 =	vgt.s32 v7, $0xC37F;
	v1 =	vld.idx.msk [tilespmem:v1+s16+$0x0], vm1  }
0x219: {  	v7 =	vadd.s32 $0xFFFF3C80, v7;
	vm0 =	vgt.s32 v8, $0xC37F;
	v2 =	vld.idx.msk [tilespmem:v2+s16+$0x0], vm2  }
0x21a: {  	v9 =	vld.idx.msk [tilespmem:v3+s16+$0x0], vm3;
	v3 =	vadd.s32 $0xFFFF3C80, v8  }
0x21b: {  	v4 =	vld.idx.msk [tilespmem:v4+s16+$0x0], vm4  }
0x21c: {  	v5 =	vld.idx.msk [tilespmem:v5+s16+$0x0], vm5  }
0x21d: {  	v6 =	vld.idx.msk [tilespmem:v6+s16+$0x0], vm6  }
0x21e: {  	v7 =	vld.idx.msk [tilespmem:v7+s16+$0x0], vm7  }
0x21f: {  	v1 =	vnsel vm1, $0x0, v1;
	v3 =	vld.idx.msk [tilespmem:v3+s16+$0x0], vm0  }
0x220: {  	[tilespmem:s0+$0x0] =	vst.add.f32.msk $0xffff, v1;
	v1 =	vnsel vm2, $0x0, v2  }
0x221: {  	v2 =	vnsel vm3, $0x0, v9;
	[tilespmem:s0+$0xFFFFFFA0] =	vst.add.f32.msk $0xffff, v1  }
0x222: {  	v1 =	vnsel vm4, $0x0, v4;
	[tilespmem:s0+$0xFFFFFFB0] =	vst.add.f32.msk $0xffff, v2  }
0x223: {  	v2 =	vnsel vm5, $0x0, v5;
	[tilespmem:s0+$0xFFFFFFC0] =	vst.add.f32.msk $0xffff, v1  }
0x224: {  	s7 =	simm.s32 $0x188F0;
	s3 =	simm.s32 $0x0;
	v1 =	vnsel vm6, $0x0, v6;
	[tilespmem:s0+$0xFFFFFFD0] =	vst.add.f32.msk $0xffff, v2;
	v2 =	vnsel vm7, $0x0, v7  }
.LBB2_23:
0x225: {  	v4 =	vld [tilespmem:s7+$0x0];
	s3 =	sadd.s32 $0x80, s3  }
0x226: {  	v3 =	vnsel vm0, $0x0, v3;
	v5 =	vld [tilespmem:s7+$0xFFFFFFA0];
	p1 =	slt.u32 s3, $0x780  }
0x227: {  	v6 =	vld [tilespmem:s7+$0xFFFFFFB0]  }
0x228: {  	v7 =	vld [tilespmem:s7+$0xFFFFFFC0]  }
0x229: {  	v8 =	vld [tilespmem:s7+$0xFFFFFFD0]  }
0x22a: {  	v9 =	vld [tilespmem:s7+$0xFFFFFFE0];
	vm2 =	vgt.s32 v4, $0xC37F  }
0x22b: {  	v4 =	vadd.s32 $0xFFFF3C80, v4;
	vm1 =	vgt.s32 v5, $0xC37F;
	v5 =	vadd.s32 $0xFFFF3C80, v5;
	v10 =	vld [tilespmem:s7+$0xFFFFFFF0]  }
0x22c: {  	v11 =	vld [tilespmem:s7+$0xFFFFFF90];
	vm3 =	vgt.s32 v6, $0xC37F;
	v6 =	vadd.s32 $0xFFFF3C80, v6  }
0x22d: {  	vm4 =	vgt.s32 v7, $0xC37F;
	v7 =	vadd.s32 $0xFFFF3C80, v7;
	[tilespmem:s0+$0xFFFFFF90] =	vst.add.f32.msk $0xffff, v3  }
0x22e: {  	vm5 =	vgt.s32 v8, $0xC37F;
	v3 =	vadd.s32 $0xFFFF3C80, v8;
	[tilespmem:s0+$0xFFFFFFE0] =	vst.add.f32.msk $0xffff, v1  }
0x22f: {  	vm6 =	vgt.s32 v9, $0xC37F;
	v1 =	vadd.s32 $0xFFFF3C80, v9;
	[tilespmem:s0+$0xFFFFFFF0] =	vst.add.f32.msk $0xffff, v2  }
0x230: {  	vm7 =	vgt.s32 v10, $0xC37F;
	v2 =	vadd.s32 $0xFFFF3C80, v10;
	v4 =	vld.idx.msk [tilespmem:v4+s16+$0x0], vm2  }
0x231: {  	vm0 =	vgt.s32 v11, $0xC37F;
	v8 =	vadd.s32 $0xFFFF3C80, v11;
	v5 =	vld.idx.msk [tilespmem:v5+s16+$0x0], vm1  }
0x232: {  	v6 =	vld.idx.msk [tilespmem:v6+s16+$0x0], vm3  }
0x233: {  	v7 =	vld.idx.msk [tilespmem:v7+s16+$0x0], vm4  }
0x234: {  	v9 =	vld.idx.msk [tilespmem:v3+s16+$0x0], vm5  }
0x235: {  	v1 =	vld.idx.msk [tilespmem:v1+s16+$0x0], vm6  }
0x236: {  	s0 =	sadd.s32 $0x80, s0;
	v3 =	vnsel vm2, $0x0, v4;
	v2 =	vld.idx.msk [tilespmem:v2+s16+$0x0], vm7  }
0x237: {  	v4 =	vnsel vm1, $0x0, v5;
	[tilespmem:s0+$0x0] =	vst.add.f32.msk $0xffff, v3  }
.Ltmp10:
0x238: {  	v5 =	vnsel vm3, $0x0, v6;
	v3 =	vld.idx.msk [tilespmem:v8+s16+$0x0], vm0;
	(pc) =	sbr.rel @p1 .LBB2_23-.Ltmp10, $4  }
0x239: {  	[tilespmem:s0+$0xFFFFFFA0] =	vst.add.f32.msk $0xffff, v4;
	v4 =	vnsel vm4, $0x0, v7  }
0x23a: {  	[tilespmem:s0+$0xFFFFFFB0] =	vst.add.f32.msk $0xffff, v5;
	v5 =	vnsel vm5, $0x0, v9  }
0x23b: {  	v1 =	vnsel vm6, $0x0, v1;
	[tilespmem:s0+$0xFFFFFFC0] =	vst.add.f32.msk $0xffff, v4  }
0x23c: {  	s7 =	sadd.s32 $0x100, s7;
	v2 =	vnsel vm7, $0x0, v2;
	[tilespmem:s0+$0xFFFFFFD0] =	vst.add.f32.msk $0xffff, v5  }
0x23d: {  	[tilespmem:s0+$0xFFFFFFE0] =	vst.add.f32.msk $0xffff, v1  }
0x23e: {  	v3 =	vnsel vm0, $0x0, v3;
	[tilespmem:s0+$0xFFFFFFF0] =	vst.add.f32.msk $0xffff, v2  }
0x23f: {  	s24 =	sadd.s32 s2, s29;
	s29 =	simm.s32 $0x19740;
	[tilespmem:s0+$0xFFFFFF90] =	vst.add.f32.msk $0xffff, v3  }
0x240: {  	[tilespmem:s18], [sflag:$0x3] =	stream.strided.gather [hbm4b:s24+s17], $0x1000, s15, s17, $0x38;
	[tilespmem:$0x1E700] =	vst v63  }
0x241: {  	v1 =	vld [tilespmem:s29+$0x30]  }
0x242: {  	v2 =	vld [tilespmem:s29+$0xFFFFFFD0]  }
0x243: {  	v3 =	vld [tilespmem:s29+$0xFFFFFFE0]  }
0x244: {  	v4 =	vld [tilespmem:s29+$0xFFFFFFF0]  }
0x245: {  	v5 =	vld [tilespmem:s29+$0x0]  }
0x246: {  	v6 =	vld [tilespmem:s29+$0x10];
	vm1 =	vgt.s32 v1, $0xC37F  }
0x247: {  	v7 =	vld [tilespmem:s29+$0x20];
	vm2 =	vgt.s32 v2, $0xC37F;
	v1 =	vadd.s32 $0xFFFF3C80, v1  }
0x248: {  	v8 =	vld [tilespmem:s29+$0xFFFFFFC0];
	v2 =	vadd.s32 $0xFFFF3C80, v2;
	vm3 =	vgt.s32 v3, $0xC37F  }
0x249: {  	v3 =	vadd.s32 $0xFFFF3C80, v3;
	vm4 =	vgt.s32 v4, $0xC37F  }
0x24a: {  	v4 =	vadd.s32 $0xFFFF3C80, v4;
	vm5 =	vgt.s32 v5, $0xC37F  }
0x24b: {  	v5 =	vadd.s32 $0xFFFF3C80, v5;
	vm6 =	vgt.s32 v6, $0xC37F  }
0x24c: {  	v6 =	vadd.s32 $0xFFFF3C80, v6;
	vm7 =	vgt.s32 v7, $0xC37F;
	v1 =	vld.idx.msk [tilespmem:v1+s16+$0x0], vm1  }
0x24d: {  	v7 =	vadd.s32 $0xFFFF3C80, v7;
	vm0 =	vgt.s32 v8, $0xC37F;
	v2 =	vld.idx.msk [tilespmem:v2+s16+$0x0], vm2  }
0x24e: {  	v9 =	vld.idx.msk [tilespmem:v3+s16+$0x0], vm3;
	v3 =	vadd.s32 $0xFFFF3C80, v8  }
0x24f: {  	v4 =	vld.idx.msk [tilespmem:v4+s16+$0x0], vm4  }
0x250: {  	v5 =	vld.idx.msk [tilespmem:v5+s16+$0x0], vm5  }
0x251: {  	v6 =	vld.idx.msk [tilespmem:v6+s16+$0x0], vm6  }
0x252: {  	v7 =	vld.idx.msk [tilespmem:v7+s16+$0x0], vm7  }
0x253: {  	s3 =	simm.s32 $0x1D770;
	v1 =	vnsel vm1, $0x0, v1;
	v3 =	vld.idx.msk [tilespmem:v3+s16+$0x0], vm0  }
0x254: {  	[tilespmem:s3+$0x0] =	vst.add.f32.msk $0xffff, v1;
	v1 =	vnsel vm2, $0x0, v2  }
0x255: {  	v2 =	vnsel vm3, $0x0, v9;
	[tilespmem:s3+$0xFFFFFFA0] =	vst.add.f32.msk $0xffff, v1  }
0x256: {  	v1 =	vnsel vm4, $0x0, v4;
	[tilespmem:s3+$0xFFFFFFB0] =	vst.add.f32.msk $0xffff, v2  }
0x257: {  	v2 =	vnsel vm5, $0x0, v5;
	[tilespmem:s3+$0xFFFFFFC0] =	vst.add.f32.msk $0xffff, v1  }
0x258: {  	s7 =	simm.s32 $0x19840;
	s24 =	simm.s32 $0x0;
	v1 =	vnsel vm6, $0x0, v6;
	[tilespmem:s3+$0xFFFFFFD0] =	vst.add.f32.msk $0xffff, v2;
	v2 =	vnsel vm7, $0x0, v7  }
.LBB2_25:
0x259: {  	v4 =	vld [tilespmem:s7+$0x30];
	s24 =	sadd.s32 $0x80, s24  }
0x25a: {  	v3 =	vnsel vm0, $0x0, v3;
	v5 =	vld [tilespmem:s7+$0xFFFFFFD0];
	p1 =	slt.u32 s24, $0x780  }
0x25b: {  	v6 =	vld [tilespmem:s7+$0xFFFFFFE0]  }
0x25c: {  	v7 =	vld [tilespmem:s7+$0xFFFFFFF0]  }
0x25d: {  	v8 =	vld [tilespmem:s7+$0x0]  }
0x25e: {  	v9 =	vld [tilespmem:s7+$0x10];
	vm5 =	vgt.s32 v4, $0xC37F  }
0x25f: {  	v4 =	vadd.s32 $0xFFFF3C80, v4;
	vm1 =	vgt.s32 v5, $0xC37F;
	v5 =	vadd.s32 $0xFFFF3C80, v5;
	v10 =	vld [tilespmem:s7+$0x20]  }
0x260: {  	v11 =	vld [tilespmem:s7+$0xFFFFFFC0];
	vm2 =	vgt.s32 v6, $0xC37F;
	v6 =	vadd.s32 $0xFFFF3C80, v6  }
0x261: {  	vm3 =	vgt.s32 v7, $0xC37F;
	v7 =	vadd.s32 $0xFFFF3C80, v7;
	[tilespmem:s3+$0xFFFFFF90] =	vst.add.f32.msk $0xffff, v3  }
0x262: {  	vm4 =	vgt.s32 v8, $0xC37F;
	v3 =	vadd.s32 $0xFFFF3C80, v8;
	[tilespmem:s3+$0xFFFFFFE0] =	vst.add.f32.msk $0xffff, v1  }
0x263: {  	vm6 =	vgt.s32 v9, $0xC37F;
	v1 =	vadd.s32 $0xFFFF3C80, v9;
	[tilespmem:s3+$0xFFFFFFF0] =	vst.add.f32.msk $0xffff, v2  }
0x264: {  	vm7 =	vgt.s32 v10, $0xC37F;
	v2 =	vadd.s32 $0xFFFF3C80, v10;
	v4 =	vld.idx.msk [tilespmem:v4+s16+$0x0], vm5  }
0x265: {  	vm0 =	vgt.s32 v11, $0xC37F;
	v8 =	vadd.s32 $0xFFFF3C80, v11;
	v5 =	vld.idx.msk [tilespmem:v5+s16+$0x0], vm1  }
0x266: {  	v6 =	vld.idx.msk [tilespmem:v6+s16+$0x0], vm2  }
0x267: {  	v7 =	vld.idx.msk [tilespmem:v7+s16+$0x0], vm3  }
0x268: {  	v9 =	vld.idx.msk [tilespmem:v3+s16+$0x0], vm4  }
0x269: {  	v1 =	vld.idx.msk [tilespmem:v1+s16+$0x0], vm6  }
0x26a: {  	s3 =	sadd.s32 $0x80, s3;
	v3 =	vnsel vm5, $0x0, v4;
	v2 =	vld.idx.msk [tilespmem:v2+s16+$0x0], vm7  }
0x26b: {  	s0 =	simm.s32 $0x1DF70;
	s8 =	simm.s32 $0x197F0;
	v4 =	vnsel vm1, $0x0, v5;
	[tilespmem:s3+$0x0] =	vst.add.f32.msk $0xffff, v3  }
.Ltmp11:
0x26c: {  	v5 =	vnsel vm2, $0x0, v6;
	v3 =	vld.idx.msk [tilespmem:v8+s16+$0x0], vm0;
	(pc) =	sbr.rel @p1 .LBB2_25-.Ltmp11, $4  }
0x26d: {  	[tilespmem:s3+$0xFFFFFFA0] =	vst.add.f32.msk $0xffff, v4;
	v4 =	vnsel vm3, $0x0, v7  }
0x26e: {  	[tilespmem:s3+$0xFFFFFFB0] =	vst.add.f32.msk $0xffff, v5;
	v5 =	vnsel vm4, $0x0, v9  }
0x26f: {  	v1 =	vnsel vm6, $0x0, v1;
	[tilespmem:s3+$0xFFFFFFC0] =	vst.add.f32.msk $0xffff, v4  }
0x270: {  	s7 =	sadd.s32 $0x100, s7;
	v2 =	vnsel vm7, $0x0, v2;
	[tilespmem:s3+$0xFFFFFFD0] =	vst.add.f32.msk $0xffff, v5  }
0x271: {  	[tilespmem:s3+$0xFFFFFFE0] =	vst.add.f32.msk $0xffff, v1  }
0x272: {  	v3 =	vnsel vm0, $0x0, v3;
	[tilespmem:s3+$0xFFFFFFF0] =	vst.add.f32.msk $0xffff, v2  }
0x273: {  	[tilespmem:s3+$0xFFFFFF90] =	vst.add.f32.msk $0xffff, v3  }
0x274: {  	v1 =	vld [tilespmem:s8+$0x0]  }
0x275: {  	v2 =	vld [tilespmem:s8+$0xFFFFFFA0]  }
0x276: {  	v3 =	vld [tilespmem:s8+$0xFFFFFFB0]  }
0x277: {  	v4 =	vld [tilespmem:s8+$0xFFFFFFC0]  }
0x278: {  	v5 =	vld [tilespmem:s8+$0xFFFFFFD0]  }
0x279: {  	v6 =	vld [tilespmem:s8+$0xFFFFFFE0];
	vm1 =	vgt.s32 v1, $0xC37F  }
0x27a: {  	v7 =	vld [tilespmem:s8+$0xFFFFFFF0];
	vm2 =	vgt.s32 v2, $0xC37F;
	v1 =	vadd.s32 $0xFFFF3C80, v1  }
0x27b: {  	v8 =	vld [tilespmem:s8+$0xFFFFFF90];
	v2 =	vadd.s32 $0xFFFF3C80, v2;
	vm3 =	vgt.s32 v3, $0xC37F  }
0x27c: {  	v3 =	vadd.s32 $0xFFFF3C80, v3;
	vm4 =	vgt.s32 v4, $0xC37F  }
0x27d: {  	v4 =	vadd.s32 $0xFFFF3C80, v4;
	vm5 =	vgt.s32 v5, $0xC37F  }
0x27e: {  	v5 =	vadd.s32 $0xFFFF3C80, v5;
	vm6 =	vgt.s32 v6, $0xC37F  }
0x27f: {  	v6 =	vadd.s32 $0xFFFF3C80, v6;
	vm7 =	vgt.s32 v7, $0xC37F;
	v1 =	vld.idx.msk [tilespmem:v1+s16+$0x0], vm1  }
0x280: {  	v7 =	vadd.s32 $0xFFFF3C80, v7;
	vm0 =	vgt.s32 v8, $0xC37F;
	v2 =	vld.idx.msk [tilespmem:v2+s16+$0x0], vm2  }
0x281: {  	v9 =	vld.idx.msk [tilespmem:v3+s16+$0x0], vm3;
	v3 =	vadd.s32 $0xFFFF3C80, v8  }
0x282: {  	v4 =	vld.idx.msk [tilespmem:v4+s16+$0x0], vm4  }
0x283: {  	v5 =	vld.idx.msk [tilespmem:v5+s16+$0x0], vm5  }
0x284: {  	v6 =	vld.idx.msk [tilespmem:v6+s16+$0x0], vm6  }
0x285: {  	v7 =	vld.idx.msk [tilespmem:v7+s16+$0x0], vm7  }
0x286: {  	v1 =	vnsel vm1, $0x0, v1;
	v3 =	vld.idx.msk [tilespmem:v3+s16+$0x0], vm0  }
0x287: {  	[tilespmem:s0+$0x0] =	vst.add.f32.msk $0xffff, v1;
	v1 =	vnsel vm2, $0x0, v2  }
0x288: {  	v2 =	vnsel vm3, $0x0, v9;
	[tilespmem:s0+$0xFFFFFFA0] =	vst.add.f32.msk $0xffff, v1  }
0x289: {  	v1 =	vnsel vm4, $0x0, v4;
	[tilespmem:s0+$0xFFFFFFB0] =	vst.add.f32.msk $0xffff, v2  }
0x28a: {  	v2 =	vnsel vm5, $0x0, v5;
	[tilespmem:s0+$0xFFFFFFC0] =	vst.add.f32.msk $0xffff, v1  }
0x28b: {  	s7 =	simm.s32 $0x198F0;
	s3 =	simm.s32 $0x0;
	v1 =	vnsel vm6, $0x0, v6;
	[tilespmem:s0+$0xFFFFFFD0] =	vst.add.f32.msk $0xffff, v2;
	v2 =	vnsel vm7, $0x0, v7  }
.LBB2_27:
0x28c: {  	v4 =	vld [tilespmem:s7+$0x0];
	s3 =	sadd.s32 $0x80, s3  }
0x28d: {  	v3 =	vnsel vm0, $0x0, v3;
	v5 =	vld [tilespmem:s7+$0xFFFFFFA0];
	p1 =	slt.u32 s3, $0x780  }
0x28e: {  	v6 =	vld [tilespmem:s7+$0xFFFFFFB0]  }
0x28f: {  	v7 =	vld [tilespmem:s7+$0xFFFFFFC0]  }
0x290: {  	v8 =	vld [tilespmem:s7+$0xFFFFFFD0]  }
0x291: {  	v9 =	vld [tilespmem:s7+$0xFFFFFFE0];
	vm2 =	vgt.s32 v4, $0xC37F  }
0x292: {  	v4 =	vadd.s32 $0xFFFF3C80, v4;
	vm1 =	vgt.s32 v5, $0xC37F;
	v5 =	vadd.s32 $0xFFFF3C80, v5;
	v10 =	vld [tilespmem:s7+$0xFFFFFFF0]  }
0x293: {  	v11 =	vld [tilespmem:s7+$0xFFFFFF90];
	vm3 =	vgt.s32 v6, $0xC37F;
	v6 =	vadd.s32 $0xFFFF3C80, v6  }
0x294: {  	vm4 =	vgt.s32 v7, $0xC37F;
	v7 =	vadd.s32 $0xFFFF3C80, v7;
	[tilespmem:s0+$0xFFFFFF90] =	vst.add.f32.msk $0xffff, v3  }
0x295: {  	vm5 =	vgt.s32 v8, $0xC37F;
	v3 =	vadd.s32 $0xFFFF3C80, v8;
	[tilespmem:s0+$0xFFFFFFE0] =	vst.add.f32.msk $0xffff, v1  }
0x296: {  	vm6 =	vgt.s32 v9, $0xC37F;
	v1 =	vadd.s32 $0xFFFF3C80, v9;
	[tilespmem:s0+$0xFFFFFFF0] =	vst.add.f32.msk $0xffff, v2  }
0x297: {  	vm7 =	vgt.s32 v10, $0xC37F;
	v2 =	vadd.s32 $0xFFFF3C80, v10;
	v4 =	vld.idx.msk [tilespmem:v4+s16+$0x0], vm2  }
0x298: {  	vm0 =	vgt.s32 v11, $0xC37F;
	v8 =	vadd.s32 $0xFFFF3C80, v11;
	v5 =	vld.idx.msk [tilespmem:v5+s16+$0x0], vm1  }
0x299: {  	v6 =	vld.idx.msk [tilespmem:v6+s16+$0x0], vm3  }
0x29a: {  	v7 =	vld.idx.msk [tilespmem:v7+s16+$0x0], vm4  }
0x29b: {  	v9 =	vld.idx.msk [tilespmem:v3+s16+$0x0], vm5  }
0x29c: {  	v1 =	vld.idx.msk [tilespmem:v1+s16+$0x0], vm6  }
0x29d: {  	s0 =	sadd.s32 $0x80, s0;
	v3 =	vnsel vm2, $0x0, v4;
	v2 =	vld.idx.msk [tilespmem:v2+s16+$0x0], vm7  }
0x29e: {  	v4 =	vnsel vm1, $0x0, v5;
	[tilespmem:s0+$0x0] =	vst.add.f32.msk $0xffff, v3  }
.Ltmp12:
0x29f: {  	v5 =	vnsel vm3, $0x0, v6;
	v3 =	vld.idx.msk [tilespmem:v8+s16+$0x0], vm0;
	(pc) =	sbr.rel @p1 .LBB2_27-.Ltmp12, $4  }
0x2a0: {  	[tilespmem:s0+$0xFFFFFFA0] =	vst.add.f32.msk $0xffff, v4;
	v4 =	vnsel vm4, $0x0, v7  }
0x2a1: {  	[tilespmem:s0+$0xFFFFFFB0] =	vst.add.f32.msk $0xffff, v5;
	v5 =	vnsel vm5, $0x0, v9  }
0x2a2: {  	v1 =	vnsel vm6, $0x0, v1;
	[tilespmem:s0+$0xFFFFFFC0] =	vst.add.f32.msk $0xffff, v4  }
0x2a3: {  	s7 =	sadd.s32 $0x100, s7;
	v2 =	vnsel vm7, $0x0, v2;
	[tilespmem:s0+$0xFFFFFFD0] =	vst.add.f32.msk $0xffff, v5  }
0x2a4: {  	[tilespmem:s0+$0xFFFFFFE0] =	vst.add.f32.msk $0xffff, v1  }
0x2a5: {  	v3 =	vnsel vm0, $0x0, v3;
	[tilespmem:s0+$0xFFFFFFF0] =	vst.add.f32.msk $0xffff, v2  }
0x2a6: {  	[tilespmem:s0+$0xFFFFFF90] =	vst.add.f32.msk $0xffff, v3  }
0x2a7: {  	[tilespmem:s20], [sflag:$0x4] =	stream.strided.gather [hbm4b:s28+s17], $0x1000, s15, s17, $0x38;
	[tilespmem:$0x1E700] =	vst v63  }
0x2a8: {  	_ =	swait.ge [sflag:s21], $0x1000  }
0x2a9: {  	[sflag:s21] =	ssyncset.done $0x0  }
0x2aa: {  	s29 =	simm.s32 $0x18740;
	[sflag:s21] =	ssyncadd.s32 $0xFFFFF000  }
0x2ab: {  	v1 =	vld [tilespmem:s29+$0x30]  }
0x2ac: {  	v2 =	vld [tilespmem:s29+$0xFFFFFFD0]  }
0x2ad: {  	v3 =	vld [tilespmem:s29+$0xFFFFFFE0]  }
0x2ae: {  	v4 =	vld [tilespmem:s29+$0xFFFFFFF0]  }
0x2af: {  	v5 =	vld [tilespmem:s29+$0x0]  }
0x2b0: {  	v6 =	vld [tilespmem:s29+$0x10];
	vm1 =	vgt.s32 v1, $0xC37F  }
0x2b1: {  	v7 =	vld [tilespmem:s29+$0x20];
	vm2 =	vgt.s32 v2, $0xC37F;
	v1 =	vadd.s32 $0xFFFF3C80, v1  }
0x2b2: {  	v8 =	vld [tilespmem:s29+$0xFFFFFFC0];
	v2 =	vadd.s32 $0xFFFF3C80, v2;
	vm3 =	vgt.s32 v3, $0xC37F  }
0x2b3: {  	v3 =	vadd.s32 $0xFFFF3C80, v3;
	vm4 =	vgt.s32 v4, $0xC37F  }
0x2b4: {  	v4 =	vadd.s32 $0xFFFF3C80, v4;
	vm5 =	vgt.s32 v5, $0xC37F  }
0x2b5: {  	v5 =	vadd.s32 $0xFFFF3C80, v5;
	vm6 =	vgt.s32 v6, $0xC37F  }
0x2b6: {  	v6 =	vadd.s32 $0xFFFF3C80, v6;
	vm7 =	vgt.s32 v7, $0xC37F;
	v1 =	vld.idx.msk [tilespmem:v1+s16+$0x0], vm1  }
0x2b7: {  	v7 =	vadd.s32 $0xFFFF3C80, v7;
	vm0 =	vgt.s32 v8, $0xC37F;
	v2 =	vld.idx.msk [tilespmem:v2+s16+$0x0], vm2  }
0x2b8: {  	v9 =	vld.idx.msk [tilespmem:v3+s16+$0x0], vm3;
	v3 =	vadd.s32 $0xFFFF3C80, v8  }
0x2b9: {  	v4 =	vld.idx.msk [tilespmem:v4+s16+$0x0], vm4  }
0x2ba: {  	v5 =	vld.idx.msk [tilespmem:v5+s16+$0x0], vm5  }
0x2bb: {  	v6 =	vld.idx.msk [tilespmem:v6+s16+$0x0], vm6  }
0x2bc: {  	v7 =	vld.idx.msk [tilespmem:v7+s16+$0x0], vm7  }
0x2bd: {  	s3 =	simm.s32 $0x1A770;
	v1 =	vnsel vm1, $0x0, v1;
	v3 =	vld.idx.msk [tilespmem:v3+s16+$0x0], vm0  }
0x2be: {  	[tilespmem:s3+$0x0] =	vst.add.f32.msk $0xffff, v1;
	v1 =	vnsel vm2, $0x0, v2  }
0x2bf: {  	v2 =	vnsel vm3, $0x0, v9;
	[tilespmem:s3+$0xFFFFFFA0] =	vst.add.f32.msk $0xffff, v1  }
0x2c0: {  	v1 =	vnsel vm4, $0x0, v4;
	[tilespmem:s3+$0xFFFFFFB0] =	vst.add.f32.msk $0xffff, v2  }
0x2c1: {  	v2 =	vnsel vm5, $0x0, v5;
	[tilespmem:s3+$0xFFFFFFC0] =	vst.add.f32.msk $0xffff, v1  }
0x2c2: {  	s24 =	simm.s32 $0x0;
	s7 =	simm.s32 $0x18840;
	v1 =	vnsel vm6, $0x0, v6;
	[tilespmem:s3+$0xFFFFFFD0] =	vst.add.f32.msk $0xffff, v2;
	v2 =	vnsel vm7, $0x0, v7  }
.LBB2_29:
0x2c3: {  	v4 =	vld [tilespmem:s7+$0x30];
	s24 =	sadd.s32 $0x80, s24  }
0x2c4: {  	v3 =	vnsel vm0, $0x0, v3;
	v5 =	vld [tilespmem:s7+$0xFFFFFFD0];
	p1 =	slt.u32 s24, $0x780  }
0x2c5: {  	v6 =	vld [tilespmem:s7+$0xFFFFFFE0]  }
0x2c6: {  	v7 =	vld [tilespmem:s7+$0xFFFFFFF0]  }
0x2c7: {  	v8 =	vld [tilespmem:s7+$0x0]  }
0x2c8: {  	v9 =	vld [tilespmem:s7+$0x10];
	vm5 =	vgt.s32 v4, $0xC37F  }
0x2c9: {  	v4 =	vadd.s32 $0xFFFF3C80, v4;
	vm1 =	vgt.s32 v5, $0xC37F;
	v5 =	vadd.s32 $0xFFFF3C80, v5;
	v10 =	vld [tilespmem:s7+$0x20]  }
0x2ca: {  	v11 =	vld [tilespmem:s7+$0xFFFFFFC0];
	vm2 =	vgt.s32 v6, $0xC37F;
	v6 =	vadd.s32 $0xFFFF3C80, v6  }
0x2cb: {  	vm3 =	vgt.s32 v7, $0xC37F;
	v7 =	vadd.s32 $0xFFFF3C80, v7;
	[tilespmem:s3+$0xFFFFFF90] =	vst.add.f32.msk $0xffff, v3  }
0x2cc: {  	vm4 =	vgt.s32 v8, $0xC37F;
	v3 =	vadd.s32 $0xFFFF3C80, v8;
	[tilespmem:s3+$0xFFFFFFE0] =	vst.add.f32.msk $0xffff, v1  }
0x2cd: {  	vm6 =	vgt.s32 v9, $0xC37F;
	v1 =	vadd.s32 $0xFFFF3C80, v9;
	[tilespmem:s3+$0xFFFFFFF0] =	vst.add.f32.msk $0xffff, v2  }
0x2ce: {  	vm7 =	vgt.s32 v10, $0xC37F;
	v2 =	vadd.s32 $0xFFFF3C80, v10;
	v4 =	vld.idx.msk [tilespmem:v4+s16+$0x0], vm5  }
0x2cf: {  	vm0 =	vgt.s32 v11, $0xC37F;
	v8 =	vadd.s32 $0xFFFF3C80, v11;
	v5 =	vld.idx.msk [tilespmem:v5+s16+$0x0], vm1  }
0x2d0: {  	v6 =	vld.idx.msk [tilespmem:v6+s16+$0x0], vm2  }
0x2d1: {  	v7 =	vld.idx.msk [tilespmem:v7+s16+$0x0], vm3  }
0x2d2: {  	v9 =	vld.idx.msk [tilespmem:v3+s16+$0x0], vm4  }
0x2d3: {  	v1 =	vld.idx.msk [tilespmem:v1+s16+$0x0], vm6  }
0x2d4: {  	s3 =	sadd.s32 $0x80, s3;
	v3 =	vnsel vm5, $0x0, v4;
	v2 =	vld.idx.msk [tilespmem:v2+s16+$0x0], vm7  }
0x2d5: {  	s0 =	simm.s32 $0x1AF70;
	s8 =	simm.s32 $0x187F0;
	v4 =	vnsel vm1, $0x0, v5;
	[tilespmem:s3+$0x0] =	vst.add.f32.msk $0xffff, v3  }
.Ltmp13:
0x2d6: {  	v5 =	vnsel vm2, $0x0, v6;
	v3 =	vld.idx.msk [tilespmem:v8+s16+$0x0], vm0;
	(pc) =	sbr.rel @p1 .LBB2_29-.Ltmp13, $4  }
0x2d7: {  	[tilespmem:s3+$0xFFFFFFA0] =	vst.add.f32.msk $0xffff, v4;
	v4 =	vnsel vm3, $0x0, v7  }
0x2d8: {  	[tilespmem:s3+$0xFFFFFFB0] =	vst.add.f32.msk $0xffff, v5;
	v5 =	vnsel vm4, $0x0, v9  }
0x2d9: {  	v1 =	vnsel vm6, $0x0, v1;
	[tilespmem:s3+$0xFFFFFFC0] =	vst.add.f32.msk $0xffff, v4  }
0x2da: {  	s7 =	sadd.s32 $0x100, s7;
	v2 =	vnsel vm7, $0x0, v2;
	[tilespmem:s3+$0xFFFFFFD0] =	vst.add.f32.msk $0xffff, v5  }
0x2db: {  	[tilespmem:s3+$0xFFFFFFE0] =	vst.add.f32.msk $0xffff, v1  }
0x2dc: {  	v3 =	vnsel vm0, $0x0, v3;
	[tilespmem:s3+$0xFFFFFFF0] =	vst.add.f32.msk $0xffff, v2  }
0x2dd: {  	[tilespmem:s3+$0xFFFFFF90] =	vst.add.f32.msk $0xffff, v3  }
0x2de: {  	v1 =	vld [tilespmem:s8+$0x0]  }
0x2df: {  	v2 =	vld [tilespmem:s8+$0xFFFFFFA0]  }
0x2e0: {  	v3 =	vld [tilespmem:s8+$0xFFFFFFB0]  }
0x2e1: {  	v4 =	vld [tilespmem:s8+$0xFFFFFFC0]  }
0x2e2: {  	v5 =	vld [tilespmem:s8+$0xFFFFFFD0]  }
0x2e3: {  	v6 =	vld [tilespmem:s8+$0xFFFFFFE0];
	vm1 =	vgt.s32 v1, $0xC37F  }
0x2e4: {  	v7 =	vld [tilespmem:s8+$0xFFFFFFF0];
	vm2 =	vgt.s32 v2, $0xC37F;
	v1 =	vadd.s32 $0xFFFF3C80, v1  }
0x2e5: {  	v8 =	vld [tilespmem:s8+$0xFFFFFF90];
	v2 =	vadd.s32 $0xFFFF3C80, v2;
	vm3 =	vgt.s32 v3, $0xC37F  }
0x2e6: {  	v3 =	vadd.s32 $0xFFFF3C80, v3;
	vm4 =	vgt.s32 v4, $0xC37F  }
0x2e7: {  	v4 =	vadd.s32 $0xFFFF3C80, v4;
	vm5 =	vgt.s32 v5, $0xC37F  }
0x2e8: {  	v5 =	vadd.s32 $0xFFFF3C80, v5;
	vm6 =	vgt.s32 v6, $0xC37F  }
0x2e9: {  	v6 =	vadd.s32 $0xFFFF3C80, v6;
	vm7 =	vgt.s32 v7, $0xC37F;
	v1 =	vld.idx.msk [tilespmem:v1+s16+$0x0], vm1  }
0x2ea: {  	v7 =	vadd.s32 $0xFFFF3C80, v7;
	vm0 =	vgt.s32 v8, $0xC37F;
	v2 =	vld.idx.msk [tilespmem:v2+s16+$0x0], vm2  }
0x2eb: {  	v9 =	vld.idx.msk [tilespmem:v3+s16+$0x0], vm3;
	v3 =	vadd.s32 $0xFFFF3C80, v8  }
0x2ec: {  	v4 =	vld.idx.msk [tilespmem:v4+s16+$0x0], vm4  }
0x2ed: {  	v5 =	vld.idx.msk [tilespmem:v5+s16+$0x0], vm5  }
0x2ee: {  	v6 =	vld.idx.msk [tilespmem:v6+s16+$0x0], vm6  }
0x2ef: {  	v7 =	vld.idx.msk [tilespmem:v7+s16+$0x0], vm7  }
0x2f0: {  	v1 =	vnsel vm1, $0x0, v1;
	v3 =	vld.idx.msk [tilespmem:v3+s16+$0x0], vm0  }
0x2f1: {  	[tilespmem:s0+$0x0] =	vst.add.f32.msk $0xffff, v1;
	v1 =	vnsel vm2, $0x0, v2  }
0x2f2: {  	v2 =	vnsel vm3, $0x0, v9;
	[tilespmem:s0+$0xFFFFFFA0] =	vst.add.f32.msk $0xffff, v1  }
0x2f3: {  	v1 =	vnsel vm4, $0x0, v4;
	[tilespmem:s0+$0xFFFFFFB0] =	vst.add.f32.msk $0xffff, v2  }
0x2f4: {  	v2 =	vnsel vm5, $0x0, v5;
	[tilespmem:s0+$0xFFFFFFC0] =	vst.add.f32.msk $0xffff, v1  }
0x2f5: {  	s7 =	simm.s32 $0x188F0;
	s3 =	simm.s32 $0x0;
	v1 =	vnsel vm6, $0x0, v6;
	[tilespmem:s0+$0xFFFFFFD0] =	vst.add.f32.msk $0xffff, v2;
	v2 =	vnsel vm7, $0x0, v7  }
.LBB2_31:
0x2f6: {  	v4 =	vld [tilespmem:s7+$0x0];
	s3 =	sadd.s32 $0x80, s3  }
0x2f7: {  	v3 =	vnsel vm0, $0x0, v3;
	v5 =	vld [tilespmem:s7+$0xFFFFFFA0];
	p1 =	slt.u32 s3, $0x780  }
0x2f8: {  	v6 =	vld [tilespmem:s7+$0xFFFFFFB0]  }
0x2f9: {  	v7 =	vld [tilespmem:s7+$0xFFFFFFC0]  }
0x2fa: {  	v8 =	vld [tilespmem:s7+$0xFFFFFFD0]  }
0x2fb: {  	v9 =	vld [tilespmem:s7+$0xFFFFFFE0];
	vm2 =	vgt.s32 v4, $0xC37F  }
0x2fc: {  	v4 =	vadd.s32 $0xFFFF3C80, v4;
	vm1 =	vgt.s32 v5, $0xC37F;
	v5 =	vadd.s32 $0xFFFF3C80, v5;
	v10 =	vld [tilespmem:s7+$0xFFFFFFF0]  }
0x2fd: {  	v11 =	vld [tilespmem:s7+$0xFFFFFF90];
	vm3 =	vgt.s32 v6, $0xC37F;
	v6 =	vadd.s32 $0xFFFF3C80, v6  }
0x2fe: {  	vm4 =	vgt.s32 v7, $0xC37F;
	v7 =	vadd.s32 $0xFFFF3C80, v7;
	[tilespmem:s0+$0xFFFFFF90] =	vst.add.f32.msk $0xffff, v3  }
0x2ff: {  	vm5 =	vgt.s32 v8, $0xC37F;
	v3 =	vadd.s32 $0xFFFF3C80, v8;
	[tilespmem:s0+$0xFFFFFFE0] =	vst.add.f32.msk $0xffff, v1  }
0x300: {  	vm6 =	vgt.s32 v9, $0xC37F;
	v1 =	vadd.s32 $0xFFFF3C80, v9;
	[tilespmem:s0+$0xFFFFFFF0] =	vst.add.f32.msk $0xffff, v2  }
0x301: {  	vm7 =	vgt.s32 v10, $0xC37F;
	v2 =	vadd.s32 $0xFFFF3C80, v10;
	v4 =	vld.idx.msk [tilespmem:v4+s16+$0x0], vm2  }
0x302: {  	vm0 =	vgt.s32 v11, $0xC37F;
	v8 =	vadd.s32 $0xFFFF3C80, v11;
	v5 =	vld.idx.msk [tilespmem:v5+s16+$0x0], vm1  }
0x303: {  	v6 =	vld.idx.msk [tilespmem:v6+s16+$0x0], vm3  }
0x304: {  	v7 =	vld.idx.msk [tilespmem:v7+s16+$0x0], vm4  }
0x305: {  	v9 =	vld.idx.msk [tilespmem:v3+s16+$0x0], vm5  }
0x306: {  	v1 =	vld.idx.msk [tilespmem:v1+s16+$0x0], vm6  }
0x307: {  	s0 =	sadd.s32 $0x80, s0;
	v3 =	vnsel vm2, $0x0, v4;
	v2 =	vld.idx.msk [tilespmem:v2+s16+$0x0], vm7  }
0x308: {  	v4 =	vnsel vm1, $0x0, v5;
	[tilespmem:s0+$0x0] =	vst.add.f32.msk $0xffff, v3  }
.Ltmp14:
0x309: {  	v5 =	vnsel vm3, $0x0, v6;
	v3 =	vld.idx.msk [tilespmem:v8+s16+$0x0], vm0;
	(pc) =	sbr.rel @p1 .LBB2_31-.Ltmp14, $4  }
0x30a: {  	[tilespmem:s0+$0xFFFFFFA0] =	vst.add.f32.msk $0xffff, v4;
	v4 =	vnsel vm4, $0x0, v7  }
0x30b: {  	[tilespmem:s0+$0xFFFFFFB0] =	vst.add.f32.msk $0xffff, v5;
	v5 =	vnsel vm5, $0x0, v9  }
0x30c: {  	v1 =	vnsel vm6, $0x0, v1;
	[tilespmem:s0+$0xFFFFFFC0] =	vst.add.f32.msk $0xffff, v4  }
0x30d: {  	s7 =	sadd.s32 $0x100, s7;
	v2 =	vnsel vm7, $0x0, v2;
	[tilespmem:s0+$0xFFFFFFD0] =	vst.add.f32.msk $0xffff, v5  }
0x30e: {  	[tilespmem:s0+$0xFFFFFFE0] =	vst.add.f32.msk $0xffff, v1  }
0x30f: {  	v3 =	vnsel vm0, $0x0, v3;
	[tilespmem:s0+$0xFFFFFFF0] =	vst.add.f32.msk $0xffff, v2  }
0x310: {  	[tilespmem:s0+$0xFFFFFF90] =	vst.add.f32.msk $0xffff, v3  }
0x311: {  	_ =	swait.ge [sflag:s22], $0x1000  }
0x312: {  	[sflag:s22] =	ssyncset.done $0x0  }
0x313: {  	s29 =	simm.s32 $0x19740;
	[sflag:s22] =	ssyncadd.s32 $0xFFFFF000  }
0x314: {  	v1 =	vld [tilespmem:s29+$0x30]  }
0x315: {  	v2 =	vld [tilespmem:s29+$0xFFFFFFD0]  }
0x316: {  	v3 =	vld [tilespmem:s29+$0xFFFFFFE0]  }
0x317: {  	v4 =	vld [tilespmem:s29+$0xFFFFFFF0]  }
0x318: {  	v5 =	vld [tilespmem:s29+$0x0]  }
0x319: {  	v6 =	vld [tilespmem:s29+$0x10];
	vm1 =	vgt.s32 v1, $0xC37F  }
0x31a: {  	v7 =	vld [tilespmem:s29+$0x20];
	vm2 =	vgt.s32 v2, $0xC37F;
	v1 =	vadd.s32 $0xFFFF3C80, v1  }
0x31b: {  	v8 =	vld [tilespmem:s29+$0xFFFFFFC0];
	v2 =	vadd.s32 $0xFFFF3C80, v2;
	vm3 =	vgt.s32 v3, $0xC37F  }
0x31c: {  	v3 =	vadd.s32 $0xFFFF3C80, v3;
	vm4 =	vgt.s32 v4, $0xC37F  }
0x31d: {  	v4 =	vadd.s32 $0xFFFF3C80, v4;
	vm5 =	vgt.s32 v5, $0xC37F  }
0x31e: {  	v5 =	vadd.s32 $0xFFFF3C80, v5;
	vm6 =	vgt.s32 v6, $0xC37F  }
0x31f: {  	v6 =	vadd.s32 $0xFFFF3C80, v6;
	vm7 =	vgt.s32 v7, $0xC37F;
	v1 =	vld.idx.msk [tilespmem:v1+s16+$0x0], vm1  }
0x320: {  	v7 =	vadd.s32 $0xFFFF3C80, v7;
	vm0 =	vgt.s32 v8, $0xC37F;
	v2 =	vld.idx.msk [tilespmem:v2+s16+$0x0], vm2  }
0x321: {  	v9 =	vld.idx.msk [tilespmem:v3+s16+$0x0], vm3;
	v3 =	vadd.s32 $0xFFFF3C80, v8  }
0x322: {  	v4 =	vld.idx.msk [tilespmem:v4+s16+$0x0], vm4  }
0x323: {  	v5 =	vld.idx.msk [tilespmem:v5+s16+$0x0], vm5  }
0x324: {  	v6 =	vld.idx.msk [tilespmem:v6+s16+$0x0], vm6  }
0x325: {  	v7 =	vld.idx.msk [tilespmem:v7+s16+$0x0], vm7  }
0x326: {  	s3 =	simm.s32 $0x1B770;
	v1 =	vnsel vm1, $0x0, v1;
	v3 =	vld.idx.msk [tilespmem:v3+s16+$0x0], vm0  }
0x327: {  	[tilespmem:s3+$0x0] =	vst.add.f32.msk $0xffff, v1;
	v1 =	vnsel vm2, $0x0, v2  }
0x328: {  	v2 =	vnsel vm3, $0x0, v9;
	[tilespmem:s3+$0xFFFFFFA0] =	vst.add.f32.msk $0xffff, v1  }
0x329: {  	v1 =	vnsel vm4, $0x0, v4;
	[tilespmem:s3+$0xFFFFFFB0] =	vst.add.f32.msk $0xffff, v2  }
0x32a: {  	v2 =	vnsel vm5, $0x0, v5;
	[tilespmem:s3+$0xFFFFFFC0] =	vst.add.f32.msk $0xffff, v1  }
0x32b: {  	s24 =	simm.s32 $0x0;
	s7 =	simm.s32 $0x19840;
	v1 =	vnsel vm6, $0x0, v6;
	[tilespmem:s3+$0xFFFFFFD0] =	vst.add.f32.msk $0xffff, v2;
	v2 =	vnsel vm7, $0x0, v7  }
.LBB2_33:
0x32c: {  	v4 =	vld [tilespmem:s7+$0x30];
	s24 =	sadd.s32 $0x80, s24  }
0x32d: {  	v3 =	vnsel vm0, $0x0, v3;
	v5 =	vld [tilespmem:s7+$0xFFFFFFD0];
	p1 =	slt.u32 s24, $0x780  }
0x32e: {  	v6 =	vld [tilespmem:s7+$0xFFFFFFE0]  }
0x32f: {  	v7 =	vld [tilespmem:s7+$0xFFFFFFF0]  }
0x330: {  	v8 =	vld [tilespmem:s7+$0x0]  }
0x331: {  	v9 =	vld [tilespmem:s7+$0x10];
	vm5 =	vgt.s32 v4, $0xC37F  }
0x332: {  	v4 =	vadd.s32 $0xFFFF3C80, v4;
	vm1 =	vgt.s32 v5, $0xC37F;
	v5 =	vadd.s32 $0xFFFF3C80, v5;
	v10 =	vld [tilespmem:s7+$0x20]  }
0x333: {  	v11 =	vld [tilespmem:s7+$0xFFFFFFC0];
	vm2 =	vgt.s32 v6, $0xC37F;
	v6 =	vadd.s32 $0xFFFF3C80, v6  }
0x334: {  	vm3 =	vgt.s32 v7, $0xC37F;
	v7 =	vadd.s32 $0xFFFF3C80, v7;
	[tilespmem:s3+$0xFFFFFF90] =	vst.add.f32.msk $0xffff, v3  }
0x335: {  	vm4 =	vgt.s32 v8, $0xC37F;
	v3 =	vadd.s32 $0xFFFF3C80, v8;
	[tilespmem:s3+$0xFFFFFFE0] =	vst.add.f32.msk $0xffff, v1  }
0x336: {  	vm6 =	vgt.s32 v9, $0xC37F;
	v1 =	vadd.s32 $0xFFFF3C80, v9;
	[tilespmem:s3+$0xFFFFFFF0] =	vst.add.f32.msk $0xffff, v2  }
0x337: {  	vm7 =	vgt.s32 v10, $0xC37F;
	v2 =	vadd.s32 $0xFFFF3C80, v10;
	v4 =	vld.idx.msk [tilespmem:v4+s16+$0x0], vm5  }
0x338: {  	vm0 =	vgt.s32 v11, $0xC37F;
	v8 =	vadd.s32 $0xFFFF3C80, v11;
	v5 =	vld.idx.msk [tilespmem:v5+s16+$0x0], vm1  }
0x339: {  	v6 =	vld.idx.msk [tilespmem:v6+s16+$0x0], vm2  }
0x33a: {  	v7 =	vld.idx.msk [tilespmem:v7+s16+$0x0], vm3  }
0x33b: {  	v9 =	vld.idx.msk [tilespmem:v3+s16+$0x0], vm4  }
0x33c: {  	v1 =	vld.idx.msk [tilespmem:v1+s16+$0x0], vm6  }
0x33d: {  	s3 =	sadd.s32 $0x80, s3;
	v3 =	vnsel vm5, $0x0, v4;
	v2 =	vld.idx.msk [tilespmem:v2+s16+$0x0], vm7  }
0x33e: {  	s0 =	simm.s32 $0x1BF70;
	s8 =	simm.s32 $0x197F0;
	v4 =	vnsel vm1, $0x0, v5;
	[tilespmem:s3+$0x0] =	vst.add.f32.msk $0xffff, v3  }
.Ltmp15:
0x33f: {  	v5 =	vnsel vm2, $0x0, v6;
	v3 =	vld.idx.msk [tilespmem:v8+s16+$0x0], vm0;
	(pc) =	sbr.rel @p1 .LBB2_33-.Ltmp15, $4  }
0x340: {  	[tilespmem:s3+$0xFFFFFFA0] =	vst.add.f32.msk $0xffff, v4;
	v4 =	vnsel vm3, $0x0, v7  }
0x341: {  	[tilespmem:s3+$0xFFFFFFB0] =	vst.add.f32.msk $0xffff, v5;
	v5 =	vnsel vm4, $0x0, v9  }
0x342: {  	v1 =	vnsel vm6, $0x0, v1;
	[tilespmem:s3+$0xFFFFFFC0] =	vst.add.f32.msk $0xffff, v4  }
0x343: {  	s7 =	sadd.s32 $0x100, s7;
	v2 =	vnsel vm7, $0x0, v2;
	[tilespmem:s3+$0xFFFFFFD0] =	vst.add.f32.msk $0xffff, v5  }
0x344: {  	[tilespmem:s3+$0xFFFFFFE0] =	vst.add.f32.msk $0xffff, v1  }
0x345: {  	v3 =	vnsel vm0, $0x0, v3;
	[tilespmem:s3+$0xFFFFFFF0] =	vst.add.f32.msk $0xffff, v2  }
0x346: {  	[tilespmem:s3+$0xFFFFFF90] =	vst.add.f32.msk $0xffff, v3  }
0x347: {  	v1 =	vld [tilespmem:s8+$0x0]  }
0x348: {  	v2 =	vld [tilespmem:s8+$0xFFFFFFA0]  }
0x349: {  	v3 =	vld [tilespmem:s8+$0xFFFFFFB0]  }
0x34a: {  	v4 =	vld [tilespmem:s8+$0xFFFFFFC0]  }
0x34b: {  	v5 =	vld [tilespmem:s8+$0xFFFFFFD0]  }
0x34c: {  	v6 =	vld [tilespmem:s8+$0xFFFFFFE0];
	vm1 =	vgt.s32 v1, $0xC37F  }
0x34d: {  	v7 =	vld [tilespmem:s8+$0xFFFFFFF0];
	vm2 =	vgt.s32 v2, $0xC37F;
	v1 =	vadd.s32 $0xFFFF3C80, v1  }
0x34e: {  	v8 =	vld [tilespmem:s8+$0xFFFFFF90];
	v2 =	vadd.s32 $0xFFFF3C80, v2;
	vm3 =	vgt.s32 v3, $0xC37F  }
0x34f: {  	v3 =	vadd.s32 $0xFFFF3C80, v3;
	vm4 =	vgt.s32 v4, $0xC37F  }
0x350: {  	v4 =	vadd.s32 $0xFFFF3C80, v4;
	vm5 =	vgt.s32 v5, $0xC37F  }
0x351: {  	v5 =	vadd.s32 $0xFFFF3C80, v5;
	vm6 =	vgt.s32 v6, $0xC37F  }
0x352: {  	v6 =	vadd.s32 $0xFFFF3C80, v6;
	vm7 =	vgt.s32 v7, $0xC37F;
	v1 =	vld.idx.msk [tilespmem:v1+s16+$0x0], vm1  }
0x353: {  	v7 =	vadd.s32 $0xFFFF3C80, v7;
	vm0 =	vgt.s32 v8, $0xC37F;
	v2 =	vld.idx.msk [tilespmem:v2+s16+$0x0], vm2  }
0x354: {  	v9 =	vld.idx.msk [tilespmem:v3+s16+$0x0], vm3;
	v3 =	vadd.s32 $0xFFFF3C80, v8  }
0x355: {  	v4 =	vld.idx.msk [tilespmem:v4+s16+$0x0], vm4  }
0x356: {  	v5 =	vld.idx.msk [tilespmem:v5+s16+$0x0], vm5  }
0x357: {  	v6 =	vld.idx.msk [tilespmem:v6+s16+$0x0], vm6  }
0x358: {  	v7 =	vld.idx.msk [tilespmem:v7+s16+$0x0], vm7  }
0x359: {  	v1 =	vnsel vm1, $0x0, v1;
	v3 =	vld.idx.msk [tilespmem:v3+s16+$0x0], vm0  }
0x35a: {  	[tilespmem:s0+$0x0] =	vst.add.f32.msk $0xffff, v1;
	v1 =	vnsel vm2, $0x0, v2  }
0x35b: {  	v2 =	vnsel vm3, $0x0, v9;
	[tilespmem:s0+$0xFFFFFFA0] =	vst.add.f32.msk $0xffff, v1  }
0x35c: {  	v1 =	vnsel vm4, $0x0, v4;
	[tilespmem:s0+$0xFFFFFFB0] =	vst.add.f32.msk $0xffff, v2  }
0x35d: {  	v4 =	vnsel vm5, $0x0, v5;
	[tilespmem:s0+$0xFFFFFFC0] =	vst.add.f32.msk $0xffff, v1  }
0x35e: {  	s7 =	simm.s32 $0x198F0;
	s3 =	simm.s32 $0x0;
	v2 =	vnsel vm6, $0x0, v6;
	[tilespmem:s0+$0xFFFFFFD0] =	vst.add.f32.msk $0xffff, v4;
	v1 =	vnsel vm7, $0x0, v7  }
.LBB2_35:
0x35f: {  	v4 =	vld [tilespmem:s7+$0x0];
	s3 =	sadd.s32 $0x80, s3  }
0x360: {  	v3 =	vnsel vm0, $0x0, v3;
	v5 =	vld [tilespmem:s7+$0xFFFFFFA0];
	p1 =	slt.u32 s3, $0x780  }
0x361: {  	v6 =	vld [tilespmem:s7+$0xFFFFFFB0]  }
0x362: {  	v7 =	vld [tilespmem:s7+$0xFFFFFFC0]  }
0x363: {  	v8 =	vld [tilespmem:s7+$0xFFFFFFD0]  }
0x364: {  	v9 =	vld [tilespmem:s7+$0xFFFFFFE0];
	vm2 =	vgt.s32 v4, $0xC37F  }
0x365: {  	v4 =	vadd.s32 $0xFFFF3C80, v4;
	vm1 =	vgt.s32 v5, $0xC37F;
	v5 =	vadd.s32 $0xFFFF3C80, v5;
	v10 =	vld [tilespmem:s7+$0xFFFFFFF0]  }
0x366: {  	v11 =	vld [tilespmem:s7+$0xFFFFFF90];
	vm3 =	vgt.s32 v6, $0xC37F;
	v6 =	vadd.s32 $0xFFFF3C80, v6  }
0x367: {  	vm4 =	vgt.s32 v7, $0xC37F;
	v7 =	vadd.s32 $0xFFFF3C80, v7;
	[tilespmem:s0+$0xFFFFFF90] =	vst.add.f32.msk $0xffff, v3  }
0x368: {  	vm5 =	vgt.s32 v8, $0xC37F;
	v3 =	vadd.s32 $0xFFFF3C80, v8;
	[tilespmem:s0+$0xFFFFFFE0] =	vst.add.f32.msk $0xffff, v2  }
0x369: {  	vm6 =	vgt.s32 v9, $0xC37F;
	v2 =	vadd.s32 $0xFFFF3C80, v9;
	[tilespmem:s0+$0xFFFFFFF0] =	vst.add.f32.msk $0xffff, v1  }
0x36a: {  	vm7 =	vgt.s32 v10, $0xC37F;
	v1 =	vadd.s32 $0xFFFF3C80, v10;
	v4 =	vld.idx.msk [tilespmem:v4+s16+$0x0], vm2  }
0x36b: {  	vm0 =	vgt.s32 v11, $0xC37F;
	v8 =	vadd.s32 $0xFFFF3C80, v11;
	v5 =	vld.idx.msk [tilespmem:v5+s16+$0x0], vm1  }
0x36c: {  	v6 =	vld.idx.msk [tilespmem:v6+s16+$0x0], vm3  }
0x36d: {  	v7 =	vld.idx.msk [tilespmem:v7+s16+$0x0], vm4  }
0x36e: {  	v9 =	vld.idx.msk [tilespmem:v3+s16+$0x0], vm5  }
0x36f: {  	v2 =	vld.idx.msk [tilespmem:v2+s16+$0x0], vm6  }
0x370: {  	s0 =	sadd.s32 $0x80, s0;
	v3 =	vnsel vm2, $0x0, v4;
	v1 =	vld.idx.msk [tilespmem:v1+s16+$0x0], vm7  }
0x371: {  	v4 =	vnsel vm1, $0x0, v5;
	[tilespmem:s0+$0x0] =	vst.add.f32.msk $0xffff, v3  }
.Ltmp16:
0x372: {  	v5 =	vnsel vm3, $0x0, v6;
	v3 =	vld.idx.msk [tilespmem:v8+s16+$0x0], vm0;
	(pc) =	sbr.rel @p1 .LBB2_35-.Ltmp16, $4  }
0x373: {  	[tilespmem:s0+$0xFFFFFFA0] =	vst.add.f32.msk $0xffff, v4;
	v4 =	vnsel vm4, $0x0, v7  }
0x374: {  	[tilespmem:s0+$0xFFFFFFB0] =	vst.add.f32.msk $0xffff, v5;
	v5 =	vnsel vm5, $0x0, v9  }
0x375: {  	v2 =	vnsel vm6, $0x0, v2;
	[tilespmem:s0+$0xFFFFFFC0] =	vst.add.f32.msk $0xffff, v4  }
0x376: {  	s7 =	sadd.s32 $0x100, s7;
	v1 =	vnsel vm7, $0x0, v1;
	[tilespmem:s0+$0xFFFFFFD0] =	vst.add.f32.msk $0xffff, v5  }
0x377: {  	s3 =	sadd.s32 @!p0 s31, s6;
	[tilespmem:s0+$0xFFFFFFE0] =	vst.add.f32.msk $0xffff, v2  }
0x378: {  	v3 =	vnsel vm0, $0x0, v3;
	[tilespmem:s0+$0xFFFFFFF0] =	vst.add.f32.msk $0xffff, v1;
	s7 =	simm.s32 @!p0 $0x400;
	s3 =	sshrl.u32 @!p0 s3, $0x3  }
0x379: {  	s8 =	simm.s32 @!p0 $0xC380;
	[tilespmem:s0+$0xFFFFFF90] =	vst.add.f32.msk $0xffff, v3;
	s0 =	simm.s32 @!p0 $0x80;
	s3 =	sadd.s32 @!p0 s1, s3  }
0x37a: {  	[tilespmem:s8], [sflag:$0x2] =	stream.strided.gather @!p0 [hbm4b:s3+s0], $0xC380, s7, s0, $0x38;
	[tilespmem:$0x1E700] =	vst v63  }
0x37b: {  	p1 =	sne.s32 @!p0 s30, $0x1A;
	s0 =	sshll.u32 @!p0 s30, $0xB  }
0x37c: {  	s3 =	simm.s32 @!p0 $0x100;
	s8 =	simm.s32 @!p0 $0x18700;
	s0 =	sadd.s32 @!p0 s2, s0  }
0x37d: {  	[tilespmem:s8], [sflag:$0x3] =	stream.strided.gather @!p0 [hbm4b:s0+s3], $0x1000, s7, s3, $0x38;
	[tilespmem:$0x1E700] =	vst v63  }
0x37e: {  	p0 =	por p0, !p1  }
.Ltmp17:
0x37f: {  	_ = 	snop;
	(pc) =	sbr.rel @!p0 .LBB2_4-.Ltmp17, $2  }
0x380: {  	_ =	sdelay $0x2  }
0x381: {  	s31 =	smov.u32 s30  }
0x382: {  	s26 =	sadd.s32 $0x1, s26  }
0x383: {  	p0 =	sne.s32 s26, s13  }
.Ltmp18:
0x384: {  	s0 =	simm.s32 $0x1A700;
	(pc) =	sbr.rel @p0 .LBB2_1-.Ltmp18, $4  }
0x385: {  	[hbm4b:s12+s14] =	stream.strided.scatter [tilespmem:s0], [sflag:$0x5], $0x4000, s15, s14, $0x38;
	[tilespmem:$0x1E700] =	vst v63  }
0x386: {  	_ =	swait.ge [sflag:s25], $0x4000  }
0x387: {  	[sflag:s25] =	ssyncset.done $0x0  }
0x388: {  	[sflag:s25] =	ssyncadd.s32 $0xFFFFC000  }
0x389: {  	_ =	sfence.sel $0x180000  }
0x38a: {  	[bflag:$0x0] =	sbarrier.arrive $0xFFFF  }
0x38b: {  	_ =	strace $0x90000047  }
0x38c: {  	s0 =	stileid.u32;
	[bflag:$0x2] =	sbarrier.arrive $0xFFFF  }
0x38d: {  	p0 =	sne.s32 s0, $0x0;
	s0 =	rddreg [dreg:$0x3]  }
0x38e: {  	s0 =	sadd.s32 @!p0 $0x100000, s0  }
0x38f: {  	[sflag:s0] =	ssyncadd.tile.s32 @!p0 $0x1;
	_ =	shalt  }
.Lfunc_end2:
_tile_overlayer_lowered:
.L_overlay_start_2:
0x390: {  	(tag) =	ssettag $0x2  }
0x391: {  	s0 =	rddreg [dreg:$0x0];
	s2 =	stileid.u32  }
0x392: {  	s1 =	rddreg [dreg:$0x1];
	p0 =	sne.s32 s2, $0x0  }
0x393: {  	s3 =	rddreg [dreg:$0x2];
	[bflag:$0x3] =	sbarrier.arrive $0xFFFF;
	s2 =	simm.s32 @!p0 $0x1C05  }
0x394: {  	[timem:s3], [sflag:s2] =	dma.local @!p0 [hbm:s0], s1  }
0x395: {  	s0 =	simm.s32 @!p0 $0x5  }
0x396: {  	_ =	swait.ge @!p0 [sflag:s0], s1  }
0x397: {  	s1 =	ssub.s32 @!p0 $0x0, s1;
	[sflag:s0] =	ssyncset.done @!p0 $0x0  }
0x398: {  	[sflag:s0] =	ssyncadd.s32 @!p0 s1  }
0x399: {  	[bflag:$0x3] =	sbarrier.arrive $0xFFFF  }
0x39a: {  	_ =	shalt  }

</sc_bundles>
